<compile_context>
chip_gen: v7x
topology: tpu7x:2x2x1
jax: 0.10.2.dev20260603
libtpu: 0.0.44.dev20260713+nightly
codegen_flags: <defaults>
</compile_context>

<pallas_src>
import functools

import jax
import jax.numpy as jnp
from jax import lax
from jax.experimental import pallas as pl
from jax.experimental.pallas import tpu as pltpu
from jax.experimental.pallas import tpu_sc as plsc

WEIGHT = 0.2
WARMUP = 50


def _make_sc_gather(B, R, D):
    info = plsc.get_sparse_core_info()
    NC, NS = info.num_cores, info.num_subcores
    NW = NC * NS
    assert B % NW == 0
    b_per_w = B // NW
    CH = 128
    assert b_per_w % CH == 0
    n_chunks = b_per_w // CH
    NB = 2

    mesh = plsc.VectorSubcoreMesh(core_axis_name="c", subcore_axis_name="s")

    @functools.partial(
        pl.kernel,
        mesh=mesh,
        compiler_params=pltpu.CompilerParams(needs_layout_passes=False),
        out_type=(
            jax.ShapeDtypeStruct((B, D), jnp.float32),
            jax.ShapeDtypeStruct((B,), jnp.int32),
        ),
        scratch_types=[
            pltpu.VMEM((b_per_w,), jnp.int32),
            pltpu.VMEM((NB, CH, D), jnp.float32),
            pltpu.VMEM((R,), jnp.int32),
            pltpu.VMEM((b_per_w,), jnp.int32),
            pltpu.SemaphoreType.DMA,
            pltpu.SemaphoreType.DMA,
            pltpu.SemaphoreType.DMA,
            pltpu.SemaphoreType.DMA,
        ],
    )
    def sc_gather(ids_hbm, mu_hbm, cnt_hbm, musel_hbm, cntsel_hbm,
                  idx_v, mu_v, cnt_v, cntsel_v, gsem0, gsem1, ssem0, ssem1):
        wid = lax.axis_index("s") * NC + lax.axis_index("c")
        base = wid * b_per_w
        pltpu.sync_copy(ids_hbm.at[pl.ds(base, b_per_w)], idx_v)
        pltpu.sync_copy(cnt_hbm, cnt_v)
        gsems = (gsem0, gsem1)
        ssems = (ssem0, ssem1)

        def gather(c, slot):
            idx = idx_v.at[pl.ds(c * CH, CH)]
            pltpu.async_copy(mu_hbm.at[idx], mu_v.at[slot], gsems[slot])

        def drain_gather(slot):
            pltpu.make_async_copy(mu_hbm.at[idx_v.at[pl.ds(0, CH)]],
                                  mu_v.at[slot], gsems[slot]).wait()

        def put(c, slot):
            row0 = base + c * CH
            pltpu.async_copy(mu_v.at[slot], musel_hbm.at[pl.ds(row0, CH)],
                             ssems[slot])

        def drain_put(slot):
            pltpu.make_async_copy(mu_v.at[slot],
                                  musel_hbm.at[pl.ds(0, CH)],
                                  ssems[slot]).wait()

        gather(0, 0)
        if n_chunks > 1:
            gather(1, 1)
        for c in range(n_chunks):
            slot = c % NB
            drain_gather(slot)
            put(c, slot)
            if c + NB < n_chunks:
                drain_put(slot)
                gather(c + NB, slot)
        L = 16
        for g in range(b_per_w // L):
            ids16 = idx_v[pl.ds(g * L, L)]
            cntsel_v[pl.ds(g * L, L)] = plsc.load_gather(cnt_v, [ids16])
        pltpu.sync_copy(cntsel_v, cntsel_hbm.at[pl.ds(base, b_per_w)])
        for c in range(max(0, n_chunks - NB), n_chunks):
            drain_put(c % NB)

    return sc_gather


def _copy_body(logits_ref, out_ref):
    out_ref[...] = logits_ref[...]


TL = 128


def _make_update(B, V, D, BRU):
    nI = B // BRU

    def upd_body(s_ref, outin_ref, feats_ref, musel_ref, cnt_ref, m2_ref,
                 out_ref, bias_s):
        j = pl.program_id(0)
        i = pl.program_id(1)

        @pl.when(j == 0)
        def _():
            f = feats_ref[...]
            m = musel_ref[...]
            dot = jnp.sum(f * m, axis=1, keepdims=True)
            ff = jnp.sum(f * f, axis=1, keepdims=True)
            mm = jnp.sum(m * m, axis=1, keepdims=True)
            inv = lax.rsqrt(jnp.maximum(ff, 1e-16) * jnp.maximum(mm, 1e-16))
            gate = cnt_ref[...] >= WARMUP
            bias_s[pl.ds(i * BRU, BRU), :] = jnp.where(
                gate, WEIGHT * dot * inv, 0.0)

        b = bias_s[pl.ds(i * BRU, BRU), :]
        out_ref[...] = outin_ref[...] + b * m2_ref[0]

    grid_spec = pltpu.PrefetchScalarGridSpec(
        num_scalar_prefetch=1,
        grid=(2, nI),
        in_specs=[
            pl.BlockSpec((BRU, TL), lambda j, i, s: (i, s[j])),
            pl.BlockSpec((BRU, D), lambda j, i, s: (jnp.where(j == 0, i, 0), 0)),
            pl.BlockSpec((BRU, D), lambda j, i, s: (jnp.where(j == 0, i, 0), 0)),
            pl.BlockSpec((BRU, 1), lambda j, i, s: (jnp.where(j == 0, i, 0), 0)),
            pl.BlockSpec((1, 1, TL), lambda j, i, s: (j, 0, 0)),
        ],
        out_specs=pl.BlockSpec((BRU, TL), lambda j, i, s: (i, s[j])),
        scratch_shapes=[pltpu.VMEM((B, 1), jnp.float32)],
    )
    return functools.partial(
        pl.pallas_call,
        upd_body,
        grid_spec=grid_spec,
        out_shape=jax.ShapeDtypeStruct((B, V), jnp.float32),
        input_output_aliases={1: 0},
        compiler_params=pltpu.CompilerParams(
            dimension_semantics=("arbitrary", "arbitrary")),
    )()


def kernel(logits_seq, feats, rel_ids, yes_idx, no_idx, mu, cnt):
    B, V = logits_seq.shape
    R, D = mu.shape
    r = jnp.clip(rel_ids, 0, R - 1).astype(jnp.int32)

    mu_sel, cnt_sel = _make_sc_gather(B, R, D)(r, mu, cnt)
    cnt_sel = cnt_sel.reshape(B, 1)

    yes32 = jnp.asarray(yes_idx, jnp.int32)
    no32 = jnp.asarray(no_idx, jnp.int32)
    tiles = jnp.stack([yes32 // TL, no32 // TL])
    lanes = lax.iota(jnp.int32, TL)[None, :]
    m2 = jnp.concatenate([
        (lanes == yes32 % TL).astype(jnp.float32),
        -(lanes == no32 % TL).astype(jnp.float32),
    ], axis=0).reshape(2, 1, TL)

    BR = 1024
    copied = pl.pallas_call(
        _copy_body,
        grid=(B // BR,),
        in_specs=[pl.BlockSpec((BR, V), lambda i: (i, 0))],
        out_specs=pl.BlockSpec((BR, V), lambda i: (i, 0)),
        out_shape=jax.ShapeDtypeStruct((B, V), jnp.float32),
    )(logits_seq)

    BRU = 512
    out = _make_update(B, V, D, BRU)(tiles, copied, feats, mu_sel, cnt_sel, m2)
    return out

# --- scband reference (transcript-rebuilt; emitter-appended) ---
"""Pipeline reference for scband-proto-router-47029891891337 (READ-ONLY COPY).

The authoritative reference and input builder live on the scoring server;
editing this copy changes nothing except your own understanding.
"""

import jax, jax.numpy as jnp
import numpy as np

R = 8192
D = 256
B = 16384
V = 2048
WEIGHT = 0.2  # decay_steps=0 -> _current_weight() returns self.weight
WARMUP = 50


def setup_inputs(seed: int = 0) -> dict:
    key = jax.random.key(seed)
    k1, k2, k3, k4 = jax.random.split(key, 4)
    logits_seq = jax.random.normal(k1, (B, V), dtype=jnp.float32)
    feats = jax.random.normal(k2, (B, D), dtype=jnp.float32)
    rel_ids = jax.random.randint(k3, (B,), 0, R, dtype=jnp.int32)
    # EMA prototype buffer (normalized rows, as produced by repeated EMA of normalized means)
    mu = jax.random.normal(k4, (R, D), dtype=jnp.float32)
    mu = mu / jnp.maximum(jnp.linalg.norm(mu, axis=-1, keepdims=True), 1e-6)
    # counts past warmup so the gate is active
    cnt = jnp.full((R,), 100, dtype=jnp.int32)
    return {
        "logits_seq": logits_seq,
        "feats": feats,
        "rel_ids": rel_ids,
        "yes_idx": 0,
        "no_idx": 1,
        "mu": mu,
        "cnt": cnt,
    }


def reference(logits_seq, feats, rel_ids, yes_idx, no_idx, mu, cnt):
    # ProtoRouter.apply_bias with train_mode=False (eval path; update() is @no_grad and skipped)
    num_rel = mu.shape[0]
    r = jnp.clip(rel_ids, 0, num_rel - 1)
    mu_sel = jnp.take(mu, r, axis=0)            # gather: (B, D)
    # F.cosine_similarity(feats, mu_sel, dim=-1) with eps=1e-8 clamp on each norm
    fn = jnp.maximum(jnp.linalg.norm(feats, axis=-1), 1e-8)
    mn = jnp.maximum(jnp.linalg.norm(mu_sel, axis=-1), 1e-8)
    cos = jnp.sum(feats * mu_sel, axis=-1) / (fn * mn)
    cnt_sel = jnp.take(cnt, r, axis=0)
    gate = (cnt_sel >= WARMUP).astype(logits_seq.dtype)
    bias = WEIGHT * cos * gate
    out = logits_seq.at[:, yes_idx].add(bias)
    out = out.at[:, no_idx].add(-bias)
    return out

if __name__ == "__main__":
    import jax
    _d = setup_inputs()
    print(jax.jit(kernel)(*tuple(_d.values())))

</pallas_src>

<mosaic_0001>
#map = affine_map<(d0, d1) -> (0)>
#map1 = affine_map<(d0, d1) -> (0, 0)>
module attributes {stable_mosaic.version = 14 : i64} {
  func.func @sc_gather(%arg0: i32, %arg1: i32, %arg2: memref<16384xi32, #tpu.memory_space<hbm>>, %arg3: memref<8192x256xf32, #tpu.memory_space<hbm>>, %arg4: memref<8192xi32, #tpu.memory_space<hbm>>, %arg5: memref<16384x256xf32, #tpu.memory_space<hbm>>, %arg6: memref<16384xi32, #tpu.memory_space<hbm>>, %arg7: memref<512xi32, #tpu.memory_space<vmem>>, %arg8: memref<2x128x256xf32, #tpu.memory_space<vmem>>, %arg9: memref<8192xi32, #tpu.memory_space<vmem>>, %arg10: memref<512xi32, #tpu.memory_space<vmem>>, %arg11: memref<!tpu.dma_semaphore, #tpu.memory_space<semaphore_mem>>, %arg12: memref<!tpu.dma_semaphore, #tpu.memory_space<semaphore_mem>>, %arg13: memref<!tpu.dma_semaphore, #tpu.memory_space<semaphore_mem>>, %arg14: memref<!tpu.dma_semaphore, #tpu.memory_space<semaphore_mem>>) attributes {dimension_semantics = [#tpu.dimension_semantics<core_parallel>, #tpu.dimension_semantics<subcore_parallel>], iteration_bounds = array<i64: 2, 16>, scalar_prefetch = 0 : i64, scratch_operands = 8 : i64, tpu.core_type = #tpu.core_type<sc_vector_subcore>, window_params = [{transform_indices = #map}, {transform_indices = #map1}, {transform_indices = #map}, {transform_indices = #map1}, {transform_indices = #map}]} {
    %mul3A = arith.constant 2 : i32
    %mul3A_0 = arith.muli %arg1, %mul3A : i32
    %add3A = arith.addi %mul3A_0, %arg0 : i32
    %mul3A_1 = arith.constant 512 : i32
    %mul3A_2 = arith.muli %add3A, %mul3A_1 : i32
    "tpu.region"() ({
      %run_scoped3A = tpu.sem_alloc : memref<!tpu.dma_semaphore, #tpu.memory_space<semaphore_mem>>
      %dma_start3A_358 = tpu.memref_slice %arg2[%mul3A_2] : memref<16384xi32, #tpu.memory_space<hbm>> -> memref<512xi32, #tpu.memory_space<hbm>>
      %dma_start3A_359 = tpu.memref_slice %arg2[%mul3A_2] : memref<16384xi32, #tpu.memory_space<hbm>> -> memref<512xi32, #tpu.memory_space<hbm>>
      tpu.enqueue_dma source(%dma_start3A_359 : memref<512xi32, #tpu.memory_space<hbm>>) target(%arg7 : memref<512xi32, #tpu.memory_space<vmem>>) target_semaphore(%run_scoped3A : memref<!tpu.dma_semaphore, #tpu.memory_space<semaphore_mem>>)
      %dma_wait3A_360 = tpu.memref_slice %arg2[%mul3A_2] : memref<16384xi32, #tpu.memory_space<hbm>> -> memref<512xi32, #tpu.memory_space<hbm>>
      %dma_wait3A_361 = tpu.memref_slice %arg2[%mul3A_2] : memref<16384xi32, #tpu.memory_space<hbm>> -> memref<512xi32, #tpu.memory_space<hbm>>
      tpu.wait_dma2 semaphore(%run_scoped3A : memref<!tpu.dma_semaphore, #tpu.memory_space<semaphore_mem>>) src(%dma_wait3A_361 : memref<512xi32, #tpu.memory_space<hbm>>) dst(%arg7 : memref<512xi32, #tpu.memory_space<vmem>>)
      tpu.yield
    }) : () -> ()
    "tpu.region"() ({
      %run_scoped3A = tpu.sem_alloc : memref<!tpu.dma_semaphore, #tpu.memory_space<semaphore_mem>>
      tpu.enqueue_dma source(%arg4 : memref<8192xi32, #tpu.memory_space<hbm>>) target(%arg9 : memref<8192xi32, #tpu.memory_space<vmem>>) target_semaphore(%run_scoped3A : memref<!tpu.dma_semaphore, #tpu.memory_space<semaphore_mem>>)
      tpu.wait_dma2 semaphore(%run_scoped3A : memref<!tpu.dma_semaphore, #tpu.memory_space<semaphore_mem>>) src(%arg4 : memref<8192xi32, #tpu.memory_space<hbm>>) dst(%arg9 : memref<8192xi32, #tpu.memory_space<vmem>>)
      tpu.yield
    }) : () -> ()
    %dma_start3A = arith.constant 0 : i32
    %dma_start3A_3 = arith.constant 0 : i32
    %dma_start3A_4 = arith.constant 0 : i32
    %dma_start3A_5 = tpu.memref_slice %arg8[%dma_start3A, %dma_start3A_3, %dma_start3A_4] : memref<2x128x256xf32, #tpu.memory_space<vmem>> -> memref<1x128x256xf32, #tpu.memory_space<vmem>>
    %dma_start3A_6 = tpu.memref_squeeze %dma_start3A_5 : memref<1x128x256xf32, #tpu.memory_space<vmem>> -> memref<128x256xf32, #tpu.memory_space<vmem>>
    %dma_start3A_7 = arith.constant 0 : i32
    %dma_start3A_8 = tpu.memref_slice %arg7[%dma_start3A_7] : memref<512xi32, #tpu.memory_space<vmem>> -> memref<128xi32, #tpu.memory_space<vmem>>
    %dma_start3A_9 = arith.constant 0 : i32
    %dma_start3A_10 = arith.constant 0 : i32
    %dma_start3A_11 = tpu.memref_slice %arg3[%dma_start3A_9, %dma_start3A_10] : memref<8192x256xf32, #tpu.memory_space<hbm>> -> memref<8192x256xf32, #tpu.memory_space<hbm>>
    tpu.enqueue_indirect_dma source(%dma_start3A_11 : memref<8192x256xf32, #tpu.memory_space<hbm>>) target(%dma_start3A_6 : memref<128x256xf32, #tpu.memory_space<vmem>>) offsets(%dma_start3A_8 : memref<128xi32, #tpu.memory_space<vmem>>) semaphore(%arg11 : memref<!tpu.dma_semaphore, #tpu.memory_space<semaphore_mem>>)
    %dma_start3A_12 = arith.constant 1 : i32
    %dma_start3A_13 = arith.constant 0 : i32
    %dma_start3A_14 = arith.constant 0 : i32
    %dma_start3A_15 = tpu.memref_slice %arg8[%dma_start3A_12, %dma_start3A_13, %dma_start3A_14] : memref<2x128x256xf32, #tpu.memory_space<vmem>> -> memref<1x128x256xf32, #tpu.memory_space<vmem>>
    %dma_start3A_16 = tpu.memref_squeeze %dma_start3A_15 : memref<1x128x256xf32, #tpu.memory_space<vmem>> -> memref<128x256xf32, #tpu.memory_space<vmem>>
    %dma_start3A_17 = arith.constant 128 : i32
    %dma_start3A_18 = tpu.memref_slice %arg7[%dma_start3A_17] : memref<512xi32, #tpu.memory_space<vmem>> -> memref<128xi32, #tpu.memory_space<vmem>>
    %dma_start3A_19 = arith.constant 0 : i32
    %dma_start3A_20 = arith.constant 0 : i32
    %dma_start3A_21 = tpu.memref_slice %arg3[%dma_start3A_19, %dma_start3A_20] : memref<8192x256xf32, #tpu.memory_space<hbm>> -> memref<8192x256xf32, #tpu.memory_space<hbm>>
    tpu.enqueue_indirect_dma source(%dma_start3A_21 : memref<8192x256xf32, #tpu.memory_space<hbm>>) target(%dma_start3A_16 : memref<128x256xf32, #tpu.memory_space<vmem>>) offsets(%dma_start3A_18 : memref<128xi32, #tpu.memory_space<vmem>>) semaphore(%arg12 : memref<!tpu.dma_semaphore, #tpu.memory_space<semaphore_mem>>)
    %dma_wait3A = arith.constant 0 : i32
    %dma_wait3A_22 = arith.constant 0 : i32
    %dma_wait3A_23 = arith.constant 0 : i32
    %dma_wait3A_24 = tpu.memref_slice %arg8[%dma_wait3A, %dma_wait3A_22, %dma_wait3A_23] : memref<2x128x256xf32, #tpu.memory_space<vmem>> -> memref<1x128x256xf32, #tpu.memory_space<vmem>>
    %dma_wait3A_25 = tpu.memref_squeeze %dma_wait3A_24 : memref<1x128x256xf32, #tpu.memory_space<vmem>> -> memref<128x256xf32, #tpu.memory_space<vmem>>
    %dma_wait3A_26 = arith.constant 0 : i32
    %dma_wait3A_27 = tpu.memref_slice %arg7[%dma_wait3A_26] : memref<512xi32, #tpu.memory_space<vmem>> -> memref<128xi32, #tpu.memory_space<vmem>>
    %dma_wait3A_28 = arith.constant 0 : i32
    %dma_wait3A_29 = arith.constant 0 : i32
    %dma_wait3A_30 = tpu.memref_slice %arg3[%dma_wait3A_28, %dma_wait3A_29] : memref<8192x256xf32, #tpu.memory_space<hbm>> -> memref<8192x256xf32, #tpu.memory_space<hbm>>
    tpu.wait_indirect_dma semaphore(%arg11 : memref<!tpu.dma_semaphore, #tpu.memory_space<semaphore_mem>>) src(%dma_wait3A_30 : memref<8192x256xf32, #tpu.memory_space<hbm>>) dst(%dma_wait3A_25 : memref<128x256xf32, #tpu.memory_space<vmem>>)
    %add3A_31 = arith.constant 0 : i32
    %add3A_32 = arith.addi %mul3A_2, %add3A_31 : i32
    %dma_start3A_33 = arith.constant 0 : i32
    %dma_start3A_34 = arith.constant 0 : i32
    %dma_start3A_35 = arith.constant 0 : i32
    %dma_start3A_36 = tpu.memref_slice %arg8[%dma_start3A_33, %dma_start3A_34, %dma_start3A_35] : memref<2x128x256xf32, #tpu.memory_space<vmem>> -> memref<1x128x256xf32, #tpu.memory_space<vmem>>
    %dma_start3A_37 = tpu.memref_squeeze %dma_start3A_36 : memref<1x128x256xf32, #tpu.memory_space<vmem>> -> memref<128x256xf32, #tpu.memory_space<vmem>>
    %dma_start3A_38 = arith.constant 0 : i32
    %dma_start3A_39 = tpu.memref_slice %arg5[%add3A_32, %dma_start3A_38] : memref<16384x256xf32, #tpu.memory_space<hbm>> -> memref<128x256xf32, #tpu.memory_space<hbm>>
    %dma_start3A_40 = arith.constant 0 : i32
    %dma_start3A_41 = tpu.memref_slice %arg5[%add3A_32, %dma_start3A_40] : memref<16384x256xf32, #tpu.memory_space<hbm>> -> memref<128x256xf32, #tpu.memory_space<hbm>>
    %dma_start3A_42 = arith.constant 0 : i32
    %dma_start3A_43 = arith.constant 0 : i32
    %dma_start3A_44 = tpu.memref_slice %arg8[%dma_start3A_33, %dma_start3A_42, %dma_start3A_43] : memref<2x128x256xf32, #tpu.memory_space<vmem>> -> memref<1x128x256xf32, #tpu.memory_space<vmem>>
    %dma_start3A_45 = tpu.memref_squeeze %dma_start3A_44 : memref<1x128x256xf32, #tpu.memory_space<vmem>> -> memref<128x256xf32, #tpu.memory_space<vmem>>
    tpu.enqueue_dma source(%dma_start3A_45 : memref<128x256xf32, #tpu.memory_space<vmem>>) target(%dma_start3A_41 : memref<128x256xf32, #tpu.memory_space<hbm>>) target_semaphore(%arg13 : memref<!tpu.dma_semaphore, #tpu.memory_space<semaphore_mem>>)
    %dma_wait3A_46 = arith.constant 0 : i32
    %dma_wait3A_47 = arith.constant 0 : i32
    %dma_wait3A_48 = arith.constant 0 : i32
    %dma_wait3A_49 = tpu.memref_slice %arg8[%dma_wait3A_46, %dma_wait3A_47, %dma_wait3A_48] : memref<2x128x256xf32, #tpu.memory_space<vmem>> -> memref<1x128x256xf32, #tpu.memory_space<vmem>>
    %dma_wait3A_50 = tpu.memref_squeeze %dma_wait3A_49 : memref<1x128x256xf32, #tpu.memory_space<vmem>> -> memref<128x256xf32, #tpu.memory_space<vmem>>
    %dma_wait3A_51 = arith.constant 0 : i32
    %dma_wait3A_52 = arith.constant 0 : i32
    %dma_wait3A_53 = tpu.memref_slice %arg5[%dma_wait3A_51, %dma_wait3A_52] : memref<16384x256xf32, #tpu.memory_space<hbm>> -> memref<128x256xf32, #tpu.memory_space<hbm>>
    %dma_wait3A_54 = arith.constant 0 : i32
    %dma_wait3A_55 = arith.constant 0 : i32
    %dma_wait3A_56 = tpu.memref_slice %arg5[%dma_wait3A_54, %dma_wait3A_55] : memref<16384x256xf32, #tpu.memory_space<hbm>> -> memref<128x256xf32, #tpu.memory_space<hbm>>
    %dma_wait3A_57 = arith.constant 0 : i32
    %dma_wait3A_58 = arith.constant 0 : i32
    %dma_wait3A_59 = tpu.memref_slice %arg8[%dma_wait3A_46, %dma_wait3A_57, %dma_wait3A_58] : memref<2x128x256xf32, #tpu.memory_space<vmem>> -> memref<1x128x256xf32, #tpu.memory_space<vmem>>
    %dma_wait3A_60 = tpu.memref_squeeze %dma_wait3A_59 : memref<1x128x256xf32, #tpu.memory_space<vmem>> -> memref<128x256xf32, #tpu.memory_space<vmem>>
    tpu.wait_dma2 semaphore(%arg13 : memref<!tpu.dma_semaphore, #tpu.memory_space<semaphore_mem>>) src(%dma_wait3A_60 : memref<128x256xf32, #tpu.memory_space<vmem>>) dst(%dma_wait3A_56 : memref<128x256xf32, #tpu.memory_space<hbm>>)
    %dma_start3A_61 = arith.constant 0 : i32
    %dma_start3A_62 = arith.constant 0 : i32
    %dma_start3A_63 = arith.constant 0 : i32
    %dma_start3A_64 = tpu.memref_slice %arg8[%dma_start3A_61, %dma_start3A_62, %dma_start3A_63] : memref<2x128x256xf32, #tpu.memory_space<vmem>> -> memref<1x128x256xf32, #tpu.memory_space<vmem>>
    %dma_start3A_65 = tpu.memref_squeeze %dma_start3A_64 : memref<1x128x256xf32, #tpu.memory_space<vmem>> -> memref<128x256xf32, #tpu.memory_space<vmem>>
    %dma_start3A_66 = arith.constant 256 : i32
    %dma_start3A_67 = tpu.memref_slice %arg7[%dma_start3A_66] : memref<512xi32, #tpu.memory_space<vmem>> -> memref<128xi32, #tpu.memory_space<vmem>>
    %dma_start3A_68 = arith.constant 0 : i32
    %dma_start3A_69 = arith.constant 0 : i32
    %dma_start3A_70 = tpu.memref_slice %arg3[%dma_start3A_68, %dma_start3A_69] : memref<8192x256xf32, #tpu.memory_space<hbm>> -> memref<8192x256xf32, #tpu.memory_space<hbm>>
    tpu.enqueue_indirect_dma source(%dma_start3A_70 : memref<8192x256xf32, #tpu.memory_space<hbm>>) target(%dma_start3A_65 : memref<128x256xf32, #tpu.memory_space<vmem>>) offsets(%dma_start3A_67 : memref<128xi32, #tpu.memory_space<vmem>>) semaphore(%arg11 : memref<!tpu.dma_semaphore, #tpu.memory_space<semaphore_mem>>)
    %dma_wait3A_71 = arith.constant 1 : i32
    %dma_wait3A_72 = arith.constant 0 : i32
    %dma_wait3A_73 = arith.constant 0 : i32
    %dma_wait3A_74 = tpu.memref_slice %arg8[%dma_wait3A_71, %dma_wait3A_72, %dma_wait3A_73] : memref<2x128x256xf32, #tpu.memory_space<vmem>> -> memref<1x128x256xf32, #tpu.memory_space<vmem>>
    %dma_wait3A_75 = tpu.memref_squeeze %dma_wait3A_74 : memref<1x128x256xf32, #tpu.memory_space<vmem>> -> memref<128x256xf32, #tpu.memory_space<vmem>>
    %dma_wait3A_76 = arith.constant 0 : i32
    %dma_wait3A_77 = tpu.memref_slice %arg7[%dma_wait3A_76] : memref<512xi32, #tpu.memory_space<vmem>> -> memref<128xi32, #tpu.memory_space<vmem>>
    %dma_wait3A_78 = arith.constant 0 : i32
    %dma_wait3A_79 = arith.constant 0 : i32
    %dma_wait3A_80 = tpu.memref_slice %arg3[%dma_wait3A_78, %dma_wait3A_79] : memref<8192x256xf32, #tpu.memory_space<hbm>> -> memref<8192x256xf32, #tpu.memory_space<hbm>>
    tpu.wait_indirect_dma semaphore(%arg12 : memref<!tpu.dma_semaphore, #tpu.memory_space<semaphore_mem>>) src(%dma_wait3A_80 : memref<8192x256xf32, #tpu.memory_space<hbm>>) dst(%dma_wait3A_75 : memref<128x256xf32, #tpu.memory_space<vmem>>)
    %add3A_81 = arith.constant 128 : i32
    %add3A_82 = arith.addi %mul3A_2, %add3A_81 : i32
    %dma_start3A_83 = arith.constant 1 : i32
    %dma_start3A_84 = arith.constant 0 : i32
    %dma_start3A_85 = arith.constant 0 : i32
    %dma_start3A_86 = tpu.memref_slice %arg8[%dma_start3A_83, %dma_start3A_84, %dma_start3A_85] : memref<2x128x256xf32, #tpu.memory_space<vmem>> -> memref<1x128x256xf32, #tpu.memory_space<vmem>>
    %dma_start3A_87 = tpu.memref_squeeze %dma_start3A_86 : memref<1x128x256xf32, #tpu.memory_space<vmem>> -> memref<128x256xf32, #tpu.memory_space<vmem>>
    %dma_start3A_88 = arith.constant 0 : i32
    %dma_start3A_89 = tpu.memref_slice %arg5[%add3A_82, %dma_start3A_88] : memref<16384x256xf32, #tpu.memory_space<hbm>> -> memref<128x256xf32, #tpu.memory_space<hbm>>
    %dma_start3A_90 = arith.constant 0 : i32
    %dma_start3A_91 = tpu.memref_slice %arg5[%add3A_82, %dma_start3A_90] : memref<16384x256xf32, #tpu.memory_space<hbm>> -> memref<128x256xf32, #tpu.memory_space<hbm>>
    %dma_start3A_92 = arith.constant 0 : i32
    %dma_start3A_93 = arith.constant 0 : i32
    %dma_start3A_94 = tpu.memref_slice %arg8[%dma_start3A_83, %dma_start3A_92, %dma_start3A_93] : memref<2x128x256xf32, #tpu.memory_space<vmem>> -> memref<1x128x256xf32, #tpu.memory_space<vmem>>
    %dma_start3A_95 = tpu.memref_squeeze %dma_start3A_94 : memref<1x128x256xf32, #tpu.memory_space<vmem>> -> memref<128x256xf32, #tpu.memory_space<vmem>>
    tpu.enqueue_dma source(%dma_start3A_95 : memref<128x256xf32, #tpu.memory_space<vmem>>) target(%dma_start3A_91 : memref<128x256xf32, #tpu.memory_space<hbm>>) target_semaphore(%arg14 : memref<!tpu.dma_semaphore, #tpu.memory_space<semaphore_mem>>)
    %dma_wait3A_96 = arith.constant 1 : i32
    %dma_wait3A_97 = arith.constant 0 : i32
    %dma_wait3A_98 = arith.constant 0 : i32
    %dma_wait3A_99 = tpu.memref_slice %arg8[%dma_wait3A_96, %dma_wait3A_97, %dma_wait3A_98] : memref<2x128x256xf32, #tpu.memory_space<vmem>> -> memref<1x128x256xf32, #tpu.memory_space<vmem>>
    %dma_wait3A_100 = tpu.memref_squeeze %dma_wait3A_99 : memref<1x128x256xf32, #tpu.memory_space<vmem>> -> memref<128x256xf32, #tpu.memory_space<vmem>>
    %dma_wait3A_101 = arith.constant 0 : i32
    %dma_wait3A_102 = arith.constant 0 : i32
    %dma_wait3A_103 = tpu.memref_slice %arg5[%dma_wait3A_101, %dma_wait3A_102] : memref<16384x256xf32, #tpu.memory_space<hbm>> -> memref<128x256xf32, #tpu.memory_space<hbm>>
    %dma_wait3A_104 = arith.constant 0 : i32
    %dma_wait3A_105 = arith.constant 0 : i32
    %dma_wait3A_106 = tpu.memref_slice %arg5[%dma_wait3A_104, %dma_wait3A_105] : memref<16384x256xf32, #tpu.memory_space<hbm>> -> memref<128x256xf32, #tpu.memory_space<hbm>>
    %dma_wait3A_107 = arith.constant 0 : i32
    %dma_wait3A_108 = arith.constant 0 : i32
    %dma_wait3A_109 = tpu.memref_slice %arg8[%dma_wait3A_96, %dma_wait3A_107, %dma_wait3A_108] : memref<2x128x256xf32, #tpu.memory_space<vmem>> -> memref<1x128x256xf32, #tpu.memory_space<vmem>>
    %dma_wait3A_110 = tpu.memref_squeeze %dma_wait3A_109 : memref<1x128x256xf32, #tpu.memory_space<vmem>> -> memref<128x256xf32, #tpu.memory_space<vmem>>
    tpu.wait_dma2 semaphore(%arg14 : memref<!tpu.dma_semaphore, #tpu.memory_space<semaphore_mem>>) src(%dma_wait3A_110 : memref<128x256xf32, #tpu.memory_space<vmem>>) dst(%dma_wait3A_106 : memref<128x256xf32, #tpu.memory_space<hbm>>)
    %dma_start3A_111 = arith.constant 1 : i32
    %dma_start3A_112 = arith.constant 0 : i32
    %dma_start3A_113 = arith.constant 0 : i32
    %dma_start3A_114 = tpu.memref_slice %arg8[%dma_start3A_111, %dma_start3A_112, %dma_start3A_113] : memref<2x128x256xf32, #tpu.memory_space<vmem>> -> memref<1x128x256xf32, #tpu.memory_space<vmem>>
    %dma_start3A_115 = tpu.memref_squeeze %dma_start3A_114 : memref<1x128x256xf32, #tpu.memory_space<vmem>> -> memref<128x256xf32, #tpu.memory_space<vmem>>
    %dma_start3A_116 = arith.constant 384 : i32
    %dma_start3A_117 = tpu.memref_slice %arg7[%dma_start3A_116] : memref<512xi32, #tpu.memory_space<vmem>> -> memref<128xi32, #tpu.memory_space<vmem>>
    %dma_start3A_118 = arith.constant 0 : i32
    %dma_start3A_119 = arith.constant 0 : i32
    %dma_start3A_120 = tpu.memref_slice %arg3[%dma_start3A_118, %dma_start3A_119] : memref<8192x256xf32, #tpu.memory_space<hbm>> -> memref<8192x256xf32, #tpu.memory_space<hbm>>
    tpu.enqueue_indirect_dma source(%dma_start3A_120 : memref<8192x256xf32, #tpu.memory_space<hbm>>) target(%dma_start3A_115 : memref<128x256xf32, #tpu.memory_space<vmem>>) offsets(%dma_start3A_117 : memref<128xi32, #tpu.memory_space<vmem>>) semaphore(%arg12 : memref<!tpu.dma_semaphore, #tpu.memory_space<semaphore_mem>>)
    %dma_wait3A_121 = arith.constant 0 : i32
    %dma_wait3A_122 = arith.constant 0 : i32
    %dma_wait3A_123 = arith.constant 0 : i32
    %dma_wait3A_124 = tpu.memref_slice %arg8[%dma_wait3A_121, %dma_wait3A_122, %dma_wait3A_123] : memref<2x128x256xf32, #tpu.memory_space<vmem>> -> memref<1x128x256xf32, #tpu.memory_space<vmem>>
    %dma_wait3A_125 = tpu.memref_squeeze %dma_wait3A_124 : memref<1x128x256xf32, #tpu.memory_space<vmem>> -> memref<128x256xf32, #tpu.memory_space<vmem>>
    %dma_wait3A_126 = arith.constant 0 : i32
    %dma_wait3A_127 = tpu.memref_slice %arg7[%dma_wait3A_126] : memref<512xi32, #tpu.memory_space<vmem>> -> memref<128xi32, #tpu.memory_space<vmem>>
    %dma_wait3A_128 = arith.constant 0 : i32
    %dma_wait3A_129 = arith.constant 0 : i32
    %dma_wait3A_130 = tpu.memref_slice %arg3[%dma_wait3A_128, %dma_wait3A_129] : memref<8192x256xf32, #tpu.memory_space<hbm>> -> memref<8192x256xf32, #tpu.memory_space<hbm>>
    tpu.wait_indirect_dma semaphore(%arg11 : memref<!tpu.dma_semaphore, #tpu.memory_space<semaphore_mem>>) src(%dma_wait3A_130 : memref<8192x256xf32, #tpu.memory_space<hbm>>) dst(%dma_wait3A_125 : memref<128x256xf32, #tpu.memory_space<vmem>>)
    %add3A_131 = arith.constant 256 : i32
    %add3A_132 = arith.addi %mul3A_2, %add3A_131 : i32
    %dma_start3A_133 = arith.constant 0 : i32
    %dma_start3A_134 = arith.constant 0 : i32
    %dma_start3A_135 = arith.constant 0 : i32
    %dma_start3A_136 = tpu.memref_slice %arg8[%dma_start3A_133, %dma_start3A_134, %dma_start3A_135] : memref<2x128x256xf32, #tpu.memory_space<vmem>> -> memref<1x128x256xf32, #tpu.memory_space<vmem>>
    %dma_start3A_137 = tpu.memref_squeeze %dma_start3A_136 : memref<1x128x256xf32, #tpu.memory_space<vmem>> -> memref<128x256xf32, #tpu.memory_space<vmem>>
    %dma_start3A_138 = arith.constant 0 : i32
    %dma_start3A_139 = tpu.memref_slice %arg5[%add3A_132, %dma_start3A_138] : memref<16384x256xf32, #tpu.memory_space<hbm>> -> memref<128x256xf32, #tpu.memory_space<hbm>>
    %dma_start3A_140 = arith.constant 0 : i32
    %dma_start3A_141 = tpu.memref_slice %arg5[%add3A_132, %dma_start3A_140] : memref<16384x256xf32, #tpu.memory_space<hbm>> -> memref<128x256xf32, #tpu.memory_space<hbm>>
    %dma_start3A_142 = arith.constant 0 : i32
    %dma_start3A_143 = arith.constant 0 : i32
    %dma_start3A_144 = tpu.memref_slice %arg8[%dma_start3A_133, %dma_start3A_142, %dma_start3A_143] : memref<2x128x256xf32, #tpu.memory_space<vmem>> -> memref<1x128x256xf32, #tpu.memory_space<vmem>>
    %dma_start3A_145 = tpu.memref_squeeze %dma_start3A_144 : memref<1x128x256xf32, #tpu.memory_space<vmem>> -> memref<128x256xf32, #tpu.memory_space<vmem>>
    tpu.enqueue_dma source(%dma_start3A_145 : memref<128x256xf32, #tpu.memory_space<vmem>>) target(%dma_start3A_141 : memref<128x256xf32, #tpu.memory_space<hbm>>) target_semaphore(%arg13 : memref<!tpu.dma_semaphore, #tpu.memory_space<semaphore_mem>>)
    %dma_wait3A_146 = arith.constant 1 : i32
    %dma_wait3A_147 = arith.constant 0 : i32
    %dma_wait3A_148 = arith.constant 0 : i32
    %dma_wait3A_149 = tpu.memref_slice %arg8[%dma_wait3A_146, %dma_wait3A_147, %dma_wait3A_148] : memref<2x128x256xf32, #tpu.memory_space<vmem>> -> memref<1x128x256xf32, #tpu.memory_space<vmem>>
    %dma_wait3A_150 = tpu.memref_squeeze %dma_wait3A_149 : memref<1x128x256xf32, #tpu.memory_space<vmem>> -> memref<128x256xf32, #tpu.memory_space<vmem>>
    %dma_wait3A_151 = arith.constant 0 : i32
    %dma_wait3A_152 = tpu.memref_slice %arg7[%dma_wait3A_151] : memref<512xi32, #tpu.memory_space<vmem>> -> memref<128xi32, #tpu.memory_space<vmem>>
    %dma_wait3A_153 = arith.constant 0 : i32
    %dma_wait3A_154 = arith.constant 0 : i32
    %dma_wait3A_155 = tpu.memref_slice %arg3[%dma_wait3A_153, %dma_wait3A_154] : memref<8192x256xf32, #tpu.memory_space<hbm>> -> memref<8192x256xf32, #tpu.memory_space<hbm>>
    tpu.wait_indirect_dma semaphore(%arg12 : memref<!tpu.dma_semaphore, #tpu.memory_space<semaphore_mem>>) src(%dma_wait3A_155 : memref<8192x256xf32, #tpu.memory_space<hbm>>) dst(%dma_wait3A_150 : memref<128x256xf32, #tpu.memory_space<vmem>>)
    %add3A_156 = arith.constant 384 : i32
    %add3A_157 = arith.addi %mul3A_2, %add3A_156 : i32
    %dma_start3A_158 = arith.constant 1 : i32
    %dma_start3A_159 = arith.constant 0 : i32
    %dma_start3A_160 = arith.constant 0 : i32
    %dma_start3A_161 = tpu.memref_slice %arg8[%dma_start3A_158, %dma_start3A_159, %dma_start3A_160] : memref<2x128x256xf32, #tpu.memory_space<vmem>> -> memref<1x128x256xf32, #tpu.memory_space<vmem>>
    %dma_start3A_162 = tpu.memref_squeeze %dma_start3A_161 : memref<1x128x256xf32, #tpu.memory_space<vmem>> -> memref<128x256xf32, #tpu.memory_space<vmem>>
    %dma_start3A_163 = arith.constant 0 : i32
    %dma_start3A_164 = tpu.memref_slice %arg5[%add3A_157, %dma_start3A_163] : memref<16384x256xf32, #tpu.memory_space<hbm>> -> memref<128x256xf32, #tpu.memory_space<hbm>>
    %dma_start3A_165 = arith.constant 0 : i32
    %dma_start3A_166 = tpu.memref_slice %arg5[%add3A_157, %dma_start3A_165] : memref<16384x256xf32, #tpu.memory_space<hbm>> -> memref<128x256xf32, #tpu.memory_space<hbm>>
    %dma_start3A_167 = arith.constant 0 : i32
    %dma_start3A_168 = arith.constant 0 : i32
    %dma_start3A_169 = tpu.memref_slice %arg8[%dma_start3A_158, %dma_start3A_167, %dma_start3A_168] : memref<2x128x256xf32, #tpu.memory_space<vmem>> -> memref<1x128x256xf32, #tpu.memory_space<vmem>>
    %dma_start3A_170 = tpu.memref_squeeze %dma_start3A_169 : memref<1x128x256xf32, #tpu.memory_space<vmem>> -> memref<128x256xf32, #tpu.memory_space<vmem>>
    tpu.enqueue_dma source(%dma_start3A_170 : memref<128x256xf32, #tpu.memory_space<vmem>>) target(%dma_start3A_166 : memref<128x256xf32, #tpu.memory_space<hbm>>) target_semaphore(%arg14 : memref<!tpu.dma_semaphore, #tpu.memory_space<semaphore_mem>>)
    %get3A = arith.constant 0 : index
    %get3A_171 = tpu.vector_load %arg7[%get3A] {strides = array<i32>} : memref<512xi32, #tpu.memory_space<vmem>>, vector<16xi32>,
    %gather3A = tpu.vector_load_idx %arg9[%get3A_171] : memref<8192xi32, #tpu.memory_space<vmem>>[vector<16xi32>], vector<16xi32>,
    %swap3A = arith.constant 0 : index
    %swap3A_172 = tpu.vector_load %arg10[%swap3A] {strides = array<i32>} : memref<512xi32, #tpu.memory_space<vmem>>, vector<16xi32>,
    tpu.vector_store %arg10[%swap3A], %gather3A {strides = array<i32>} : memref<512xi32, #tpu.memory_space<vmem>>, vector<16xi32>,
    %get3A_173 = arith.constant 16 : index
    %get3A_174 = tpu.vector_load %arg7[%get3A_173] {strides = array<i32>} : memref<512xi32, #tpu.memory_space<vmem>>, vector<16xi32>,
    %gather3A_175 = tpu.vector_load_idx %arg9[%get3A_174] : memref<8192xi32, #tpu.memory_space<vmem>>[vector<16xi32>], vector<16xi32>,
    %swap3A_176 = arith.constant 16 : index
    %swap3A_177 = tpu.vector_load %arg10[%swap3A_176] {strides = array<i32>} : memref<512xi32, #tpu.memory_space<vmem>>, vector<16xi32>,
    tpu.vector_store %arg10[%swap3A_176], %gather3A_175 {strides = array<i32>} : memref<512xi32, #tpu.memory_space<vmem>>, vector<16xi32>,
    %get3A_178 = arith.constant 32 : index
    %get3A_179 = tpu.vector_load %arg7[%get3A_178] {strides = array<i32>} : memref<512xi32, #tpu.memory_space<vmem>>, vector<16xi32>,
    %gather3A_180 = tpu.vector_load_idx %arg9[%get3A_179] : memref<8192xi32, #tpu.memory_space<vmem>>[vector<16xi32>], vector<16xi32>,
    %swap3A_181 = arith.constant 32 : index
    %swap3A_182 = tpu.vector_load %arg10[%swap3A_181] {strides = array<i32>} : memref<512xi32, #tpu.memory_space<vmem>>, vector<16xi32>,
    tpu.vector_store %arg10[%swap3A_181], %gather3A_180 {strides = array<i32>} : memref<512xi32, #tpu.memory_space<vmem>>, vector<16xi32>,
    %get3A_183 = arith.constant 48 : index
    %get3A_184 = tpu.vector_load %arg7[%get3A_183] {strides = array<i32>} : memref<512xi32, #tpu.memory_space<vmem>>, vector<16xi32>,
    %gather3A_185 = tpu.vector_load_idx %arg9[%get3A_184] : memref<8192xi32, #tpu.memory_space<vmem>>[vector<16xi32>], vector<16xi32>,
    %swap3A_186 = arith.constant 48 : index
    %swap3A_187 = tpu.vector_load %arg10[%swap3A_186] {strides = array<i32>} : memref<512xi32, #tpu.memory_space<vmem>>, vector<16xi32>,
    tpu.vector_store %arg10[%swap3A_186], %gather3A_185 {strides = array<i32>} : memref<512xi32, #tpu.memory_space<vmem>>, vector<16xi32>,
    %get3A_188 = arith.constant 64 : index
    %get3A_189 = tpu.vector_load %arg7[%get3A_188] {strides = array<i32>} : memref<512xi32, #tpu.memory_space<vmem>>, vector<16xi32>,
    %gather3A_190 = tpu.vector_load_idx %arg9[%get3A_189] : memref<8192xi32, #tpu.memory_space<vmem>>[vector<16xi32>], vector<16xi32>,
    %swap3A_191 = arith.constant 64 : index
    %swap3A_192 = tpu.vector_load %arg10[%swap3A_191] {strides = array<i32>} : memref<512xi32, #tpu.memory_space<vmem>>, vector<16xi32>,
    tpu.vector_store %arg10[%swap3A_191], %gather3A_190 {strides = array<i32>} : memref<512xi32, #tpu.memory_space<vmem>>, vector<16xi32>,
    %get3A_193 = arith.constant 80 : index
    %get3A_194 = tpu.vector_load %arg7[%get3A_193] {strides = array<i32>} : memref<512xi32, #tpu.memory_space<vmem>>, vector<16xi32>,
    %gather3A_195 = tpu.vector_load_idx %arg9[%get3A_194] : memref<8192xi32, #tpu.memory_space<vmem>>[vector<16xi32>], vector<16xi32>,
    %swap3A_196 = arith.constant 80 : index
    %swap3A_197 = tpu.vector_load %arg10[%swap3A_196] {strides = array<i32>} : memref<512xi32, #tpu.memory_space<vmem>>, vector<16xi32>,
    tpu.vector_store %arg10[%swap3A_196], %gather3A_195 {strides = array<i32>} : memref<512xi32, #tpu.memory_space<vmem>>, vector<16xi32>,
    %get3A_198 = arith.constant 96 : index
    %get3A_199 = tpu.vector_load %arg7[%get3A_198] {strides = array<i32>} : memref<512xi32, #tpu.memory_space<vmem>>, vector<16xi32>,
    %gather3A_200 = tpu.vector_load_idx %arg9[%get3A_199] : memref<8192xi32, #tpu.memory_space<vmem>>[vector<16xi32>], vector<16xi32>,
    %swap3A_201 = arith.constant 96 : index
    %swap3A_202 = tpu.vector_load %arg10[%swap3A_201] {strides = array<i32>} : memref<512xi32, #tpu.memory_space<vmem>>, vector<16xi32>,
    tpu.vector_store %arg10[%swap3A_201], %gather3A_200 {strides = array<i32>} : memref<512xi32, #tpu.memory_space<vmem>>, vector<16xi32>,
    %get3A_203 = arith.constant 112 : index
    %get3A_204 = tpu.vector_load %arg7[%get3A_203] {strides = array<i32>} : memref<512xi32, #tpu.memory_space<vmem>>, vector<16xi32>,
    %gather3A_205 = tpu.vector_load_idx %arg9[%get3A_204] : memref<8192xi32, #tpu.memory_space<vmem>>[vector<16xi32>], vector<16xi32>,
    %swap3A_206 = arith.constant 112 : index
    %swap3A_207 = tpu.vector_load %arg10[%swap3A_206] {strides = array<i32>} : memref<512xi32, #tpu.memory_space<vmem>>, vector<16xi32>,
    tpu.vector_store %arg10[%swap3A_206], %gather3A_205 {strides = array<i32>} : memref<512xi32, #tpu.memory_space<vmem>>, vector<16xi32>,
    %get3A_208 = arith.constant 128 : index
    %get3A_209 = tpu.vector_load %arg7[%get3A_208] {strides = array<i32>} : memref<512xi32, #tpu.memory_space<vmem>>, vector<16xi32>,
    %gather3A_210 = tpu.vector_load_idx %arg9[%get3A_209] : memref<8192xi32, #tpu.memory_space<vmem>>[vector<16xi32>], vector<16xi32>,
    %swap3A_211 = arith.constant 128 : index
    %swap3A_212 = tpu.vector_load %arg10[%swap3A_211] {strides = array<i32>} : memref<512xi32, #tpu.memory_space<vmem>>, vector<16xi32>,
    tpu.vector_store %arg10[%swap3A_211], %gather3A_210 {strides = array<i32>} : memref<512xi32, #tpu.memory_space<vmem>>, vector<16xi32>,
    %get3A_213 = arith.constant 144 : index
    %get3A_214 = tpu.vector_load %arg7[%get3A_213] {strides = array<i32>} : memref<512xi32, #tpu.memory_space<vmem>>, vector<16xi32>,
    %gather3A_215 = tpu.vector_load_idx %arg9[%get3A_214] : memref<8192xi32, #tpu.memory_space<vmem>>[vector<16xi32>], vector<16xi32>,
    %swap3A_216 = arith.constant 144 : index
    %swap3A_217 = tpu.vector_load %arg10[%swap3A_216] {strides = array<i32>} : memref<512xi32, #tpu.memory_space<vmem>>, vector<16xi32>,
    tpu.vector_store %arg10[%swap3A_216], %gather3A_215 {strides = array<i32>} : memref<512xi32, #tpu.memory_space<vmem>>, vector<16xi32>,
    %get3A_218 = arith.constant 160 : index
    %get3A_219 = tpu.vector_load %arg7[%get3A_218] {strides = array<i32>} : memref<512xi32, #tpu.memory_space<vmem>>, vector<16xi32>,
    %gather3A_220 = tpu.vector_load_idx %arg9[%get3A_219] : memref<8192xi32, #tpu.memory_space<vmem>>[vector<16xi32>], vector<16xi32>,
    %swap3A_221 = arith.constant 160 : index
    %swap3A_222 = tpu.vector_load %arg10[%swap3A_221] {strides = array<i32>} : memref<512xi32, #tpu.memory_space<vmem>>, vector<16xi32>,
    tpu.vector_store %arg10[%swap3A_221], %gather3A_220 {strides = array<i32>} : memref<512xi32, #tpu.memory_space<vmem>>, vector<16xi32>,
    %get3A_223 = arith.constant 176 : index
    %get3A_224 = tpu.vector_load %arg7[%get3A_223] {strides = array<i32>} : memref<512xi32, #tpu.memory_space<vmem>>, vector<16xi32>,
    %gather3A_225 = tpu.vector_load_idx %arg9[%get3A_224] : memref<8192xi32, #tpu.memory_space<vmem>>[vector<16xi32>], vector<16xi32>,
    %swap3A_226 = arith.constant 176 : index
    %swap3A_227 = tpu.vector_load %arg10[%swap3A_226] {strides = array<i32>} : memref<512xi32, #tpu.memory_space<vmem>>, vector<16xi32>,
    tpu.vector_store %arg10[%swap3A_226], %gather3A_225 {strides = array<i32>} : memref<512xi32, #tpu.memory_space<vmem>>, vector<16xi32>,
    %get3A_228 = arith.constant 192 : index
    %get3A_229 = tpu.vector_load %arg7[%get3A_228] {strides = array<i32>} : memref<512xi32, #tpu.memory_space<vmem>>, vector<16xi32>,
    %gather3A_230 = tpu.vector_load_idx %arg9[%get3A_229] : memref<8192xi32, #tpu.memory_space<vmem>>[vector<16xi32>], vector<16xi32>,
    %swap3A_231 = arith.constant 192 : index
    %swap3A_232 = tpu.vector_load %arg10[%swap3A_231] {strides = array<i32>} : memref<512xi32, #tpu.memory_space<vmem>>, vector<16xi32>,
    tpu.vector_store %arg10[%swap3A_231], %gather3A_230 {strides = array<i32>} : memref<512xi32, #tpu.memory_space<vmem>>, vector<16xi32>,
    %get3A_233 = arith.constant 208 : index
    %get3A_234 = tpu.vector_load %arg7[%get3A_233] {strides = array<i32>} : memref<512xi32, #tpu.memory_space<vmem>>, vector<16xi32>,
    %gather3A_235 = tpu.vector_load_idx %arg9[%get3A_234] : memref<8192xi32, #tpu.memory_space<vmem>>[vector<16xi32>], vector<16xi32>,
    %swap3A_236 = arith.constant 208 : index
    %swap3A_237 = tpu.vector_load %arg10[%swap3A_236] {strides = array<i32>} : memref<512xi32, #tpu.memory_space<vmem>>, vector<16xi32>,
    tpu.vector_store %arg10[%swap3A_236], %gather3A_235 {strides = array<i32>} : memref<512xi32, #tpu.memory_space<vmem>>, vector<16xi32>,
    %get3A_238 = arith.constant 224 : index
    %get3A_239 = tpu.vector_load %arg7[%get3A_238] {strides = array<i32>} : memref<512xi32, #tpu.memory_space<vmem>>, vector<16xi32>,
    %gather3A_240 = tpu.vector_load_idx %arg9[%get3A_239] : memref<8192xi32, #tpu.memory_space<vmem>>[vector<16xi32>], vector<16xi32>,
    %swap3A_241 = arith.constant 224 : index
    %swap3A_242 = tpu.vector_load %arg10[%swap3A_241] {strides = array<i32>} : memref<512xi32, #tpu.memory_space<vmem>>, vector<16xi32>,
    tpu.vector_store %arg10[%swap3A_241], %gather3A_240 {strides = array<i32>} : memref<512xi32, #tpu.memory_space<vmem>>, vector<16xi32>,
    %get3A_243 = arith.constant 240 : index
    %get3A_244 = tpu.vector_load %arg7[%get3A_243] {strides = array<i32>} : memref<512xi32, #tpu.memory_space<vmem>>, vector<16xi32>,
    %gather3A_245 = tpu.vector_load_idx %arg9[%get3A_244] : memref<8192xi32, #tpu.memory_space<vmem>>[vector<16xi32>], vector<16xi32>,
    %swap3A_246 = arith.constant 240 : index
    %swap3A_247 = tpu.vector_load %arg10[%swap3A_246] {strides = array<i32>} : memref<512xi32, #tpu.memory_space<vmem>>, vector<16xi32>,
    tpu.vector_store %arg10[%swap3A_246], %gather3A_245 {strides = array<i32>} : memref<512xi32, #tpu.memory_space<vmem>>, vector<16xi32>,
    %get3A_248 = arith.constant 256 : index
    %get3A_249 = tpu.vector_load %arg7[%get3A_248] {strides = array<i32>} : memref<512xi32, #tpu.memory_space<vmem>>, vector<16xi32>,
    %gather3A_250 = tpu.vector_load_idx %arg9[%get3A_249] : memref<8192xi32, #tpu.memory_space<vmem>>[vector<16xi32>], vector<16xi32>,
    %swap3A_251 = arith.constant 256 : index
    %swap3A_252 = tpu.vector_load %arg10[%swap3A_251] {strides = array<i32>} : memref<512xi32, #tpu.memory_space<vmem>>, vector<16xi32>,
    tpu.vector_store %arg10[%swap3A_251], %gather3A_250 {strides = array<i32>} : memref<512xi32, #tpu.memory_space<vmem>>, vector<16xi32>,
    %get3A_253 = arith.constant 272 : index
    %get3A_254 = tpu.vector_load %arg7[%get3A_253] {strides = array<i32>} : memref<512xi32, #tpu.memory_space<vmem>>, vector<16xi32>,
    %gather3A_255 = tpu.vector_load_idx %arg9[%get3A_254] : memref<8192xi32, #tpu.memory_space<vmem>>[vector<16xi32>], vector<16xi32>,
    %swap3A_256 = arith.constant 272 : index
    %swap3A_257 = tpu.vector_load %arg10[%swap3A_256] {strides = array<i32>} : memref<512xi32, #tpu.memory_space<vmem>>, vector<16xi32>,
    tpu.vector_store %arg10[%swap3A_256], %gather3A_255 {strides = array<i32>} : memref<512xi32, #tpu.memory_space<vmem>>, vector<16xi32>,
    %get3A_258 = arith.constant 288 : index
    %get3A_259 = tpu.vector_load %arg7[%get3A_258] {strides = array<i32>} : memref<512xi32, #tpu.memory_space<vmem>>, vector<16xi32>,
    %gather3A_260 = tpu.vector_load_idx %arg9[%get3A_259] : memref<8192xi32, #tpu.memory_space<vmem>>[vector<16xi32>], vector<16xi32>,
    %swap3A_261 = arith.constant 288 : index
    %swap3A_262 = tpu.vector_load %arg10[%swap3A_261] {strides = array<i32>} : memref<512xi32, #tpu.memory_space<vmem>>, vector<16xi32>,
    tpu.vector_store %arg10[%swap3A_261], %gather3A_260 {strides = array<i32>} : memref<512xi32, #tpu.memory_space<vmem>>, vector<16xi32>,
    %get3A_263 = arith.constant 304 : index
    %get3A_264 = tpu.vector_load %arg7[%get3A_263] {strides = array<i32>} : memref<512xi32, #tpu.memory_space<vmem>>, vector<16xi32>,
    %gather3A_265 = tpu.vector_load_idx %arg9[%get3A_264] : memref<8192xi32, #tpu.memory_space<vmem>>[vector<16xi32>], vector<16xi32>,
    %swap3A_266 = arith.constant 304 : index
    %swap3A_267 = tpu.vector_load %arg10[%swap3A_266] {strides = array<i32>} : memref<512xi32, #tpu.memory_space<vmem>>, vector<16xi32>,
    tpu.vector_store %arg10[%swap3A_266], %gather3A_265 {strides = array<i32>} : memref<512xi32, #tpu.memory_space<vmem>>, vector<16xi32>,
    %get3A_268 = arith.constant 320 : index
    %get3A_269 = tpu.vector_load %arg7[%get3A_268] {strides = array<i32>} : memref<512xi32, #tpu.memory_space<vmem>>, vector<16xi32>,
    %gather3A_270 = tpu.vector_load_idx %arg9[%get3A_269] : memref<8192xi32, #tpu.memory_space<vmem>>[vector<16xi32>], vector<16xi32>,
    %swap3A_271 = arith.constant 320 : index
    %swap3A_272 = tpu.vector_load %arg10[%swap3A_271] {strides = array<i32>} : memref<512xi32, #tpu.memory_space<vmem>>, vector<16xi32>,
    tpu.vector_store %arg10[%swap3A_271], %gather3A_270 {strides = array<i32>} : memref<512xi32, #tpu.memory_space<vmem>>, vector<16xi32>,
    %get3A_273 = arith.constant 336 : index
    %get3A_274 = tpu.vector_load %arg7[%get3A_273] {strides = array<i32>} : memref<512xi32, #tpu.memory_space<vmem>>, vector<16xi32>,
    %gather3A_275 = tpu.vector_load_idx %arg9[%get3A_274] : memref<8192xi32, #tpu.memory_space<vmem>>[vector<16xi32>], vector<16xi32>,
    %swap3A_276 = arith.constant 336 : index
    %swap3A_277 = tpu.vector_load %arg10[%swap3A_276] {strides = array<i32>} : memref<512xi32, #tpu.memory_space<vmem>>, vector<16xi32>,
    tpu.vector_store %arg10[%swap3A_276], %gather3A_275 {strides = array<i32>} : memref<512xi32, #tpu.memory_space<vmem>>, vector<16xi32>,
    %get3A_278 = arith.constant 352 : index
    %get3A_279 = tpu.vector_load %arg7[%get3A_278] {strides = array<i32>} : memref<512xi32, #tpu.memory_space<vmem>>, vector<16xi32>,
    %gather3A_280 = tpu.vector_load_idx %arg9[%get3A_279] : memref<8192xi32, #tpu.memory_space<vmem>>[vector<16xi32>], vector<16xi32>,
    %swap3A_281 = arith.constant 352 : index
    %swap3A_282 = tpu.vector_load %arg10[%swap3A_281] {strides = array<i32>} : memref<512xi32, #tpu.memory_space<vmem>>, vector<16xi32>,
    tpu.vector_store %arg10[%swap3A_281], %gather3A_280 {strides = array<i32>} : memref<512xi32, #tpu.memory_space<vmem>>, vector<16xi32>,
    %get3A_283 = arith.constant 368 : index
    %get3A_284 = tpu.vector_load %arg7[%get3A_283] {strides = array<i32>} : memref<512xi32, #tpu.memory_space<vmem>>, vector<16xi32>,
    %gather3A_285 = tpu.vector_load_idx %arg9[%get3A_284] : memref<8192xi32, #tpu.memory_space<vmem>>[vector<16xi32>], vector<16xi32>,
    %swap3A_286 = arith.constant 368 : index
    %swap3A_287 = tpu.vector_load %arg10[%swap3A_286] {strides = array<i32>} : memref<512xi32, #tpu.memory_space<vmem>>, vector<16xi32>,
    tpu.vector_store %arg10[%swap3A_286], %gather3A_285 {strides = array<i32>} : memref<512xi32, #tpu.memory_space<vmem>>, vector<16xi32>,
    %get3A_288 = arith.constant 384 : index
    %get3A_289 = tpu.vector_load %arg7[%get3A_288] {strides = array<i32>} : memref<512xi32, #tpu.memory_space<vmem>>, vector<16xi32>,
    %gather3A_290 = tpu.vector_load_idx %arg9[%get3A_289] : memref<8192xi32, #tpu.memory_space<vmem>>[vector<16xi32>], vector<16xi32>,
    %swap3A_291 = arith.constant 384 : index
    %swap3A_292 = tpu.vector_load %arg10[%swap3A_291] {strides = array<i32>} : memref<512xi32, #tpu.memory_space<vmem>>, vector<16xi32>,
    tpu.vector_store %arg10[%swap3A_291], %gather3A_290 {strides = array<i32>} : memref<512xi32, #tpu.memory_space<vmem>>, vector<16xi32>,
    %get3A_293 = arith.constant 400 : index
    %get3A_294 = tpu.vector_load %arg7[%get3A_293] {strides = array<i32>} : memref<512xi32, #tpu.memory_space<vmem>>, vector<16xi32>,
    %gather3A_295 = tpu.vector_load_idx %arg9[%get3A_294] : memref<8192xi32, #tpu.memory_space<vmem>>[vector<16xi32>], vector<16xi32>,
    %swap3A_296 = arith.constant 400 : index
    %swap3A_297 = tpu.vector_load %arg10[%swap3A_296] {strides = array<i32>} : memref<512xi32, #tpu.memory_space<vmem>>, vector<16xi32>,
    tpu.vector_store %arg10[%swap3A_296], %gather3A_295 {strides = array<i32>} : memref<512xi32, #tpu.memory_space<vmem>>, vector<16xi32>,
    %get3A_298 = arith.constant 416 : index
    %get3A_299 = tpu.vector_load %arg7[%get3A_298] {strides = array<i32>} : memref<512xi32, #tpu.memory_space<vmem>>, vector<16xi32>,
    %gather3A_300 = tpu.vector_load_idx %arg9[%get3A_299] : memref<8192xi32, #tpu.memory_space<vmem>>[vector<16xi32>], vector<16xi32>,
    %swap3A_301 = arith.constant 416 : index
    %swap3A_302 = tpu.vector_load %arg10[%swap3A_301] {strides = array<i32>} : memref<512xi32, #tpu.memory_space<vmem>>, vector<16xi32>,
    tpu.vector_store %arg10[%swap3A_301], %gather3A_300 {strides = array<i32>} : memref<512xi32, #tpu.memory_space<vmem>>, vector<16xi32>,
    %get3A_303 = arith.constant 432 : index
    %get3A_304 = tpu.vector_load %arg7[%get3A_303] {strides = array<i32>} : memref<512xi32, #tpu.memory_space<vmem>>, vector<16xi32>,
    %gather3A_305 = tpu.vector_load_idx %arg9[%get3A_304] : memref<8192xi32, #tpu.memory_space<vmem>>[vector<16xi32>], vector<16xi32>,
    %swap3A_306 = arith.constant 432 : index
    %swap3A_307 = tpu.vector_load %arg10[%swap3A_306] {strides = array<i32>} : memref<512xi32, #tpu.memory_space<vmem>>, vector<16xi32>,
    tpu.vector_store %arg10[%swap3A_306], %gather3A_305 {strides = array<i32>} : memref<512xi32, #tpu.memory_space<vmem>>, vector<16xi32>,
    %get3A_308 = arith.constant 448 : index
    %get3A_309 = tpu.vector_load %arg7[%get3A_308] {strides = array<i32>} : memref<512xi32, #tpu.memory_space<vmem>>, vector<16xi32>,
    %gather3A_310 = tpu.vector_load_idx %arg9[%get3A_309] : memref<8192xi32, #tpu.memory_space<vmem>>[vector<16xi32>], vector<16xi32>,
    %swap3A_311 = arith.constant 448 : index
    %swap3A_312 = tpu.vector_load %arg10[%swap3A_311] {strides = array<i32>} : memref<512xi32, #tpu.memory_space<vmem>>, vector<16xi32>,
    tpu.vector_store %arg10[%swap3A_311], %gather3A_310 {strides = array<i32>} : memref<512xi32, #tpu.memory_space<vmem>>, vector<16xi32>,
    %get3A_313 = arith.constant 464 : index
    %get3A_314 = tpu.vector_load %arg7[%get3A_313] {strides = array<i32>} : memref<512xi32, #tpu.memory_space<vmem>>, vector<16xi32>,
    %gather3A_315 = tpu.vector_load_idx %arg9[%get3A_314] : memref<8192xi32, #tpu.memory_space<vmem>>[vector<16xi32>], vector<16xi32>,
    %swap3A_316 = arith.constant 464 : index
    %swap3A_317 = tpu.vector_load %arg10[%swap3A_316] {strides = array<i32>} : memref<512xi32, #tpu.memory_space<vmem>>, vector<16xi32>,
    tpu.vector_store %arg10[%swap3A_316], %gather3A_315 {strides = array<i32>} : memref<512xi32, #tpu.memory_space<vmem>>, vector<16xi32>,
    %get3A_318 = arith.constant 480 : index
    %get3A_319 = tpu.vector_load %arg7[%get3A_318] {strides = array<i32>} : memref<512xi32, #tpu.memory_space<vmem>>, vector<16xi32>,
    %gather3A_320 = tpu.vector_load_idx %arg9[%get3A_319] : memref<8192xi32, #tpu.memory_space<vmem>>[vector<16xi32>], vector<16xi32>,
    %swap3A_321 = arith.constant 480 : index
    %swap3A_322 = tpu.vector_load %arg10[%swap3A_321] {strides = array<i32>} : memref<512xi32, #tpu.memory_space<vmem>>, vector<16xi32>,
    tpu.vector_store %arg10[%swap3A_321], %gather3A_320 {strides = array<i32>} : memref<512xi32, #tpu.memory_space<vmem>>, vector<16xi32>,
    %get3A_323 = arith.constant 496 : index
    %get3A_324 = tpu.vector_load %arg7[%get3A_323] {strides = array<i32>} : memref<512xi32, #tpu.memory_space<vmem>>, vector<16xi32>,
    %gather3A_325 = tpu.vector_load_idx %arg9[%get3A_324] : memref<8192xi32, #tpu.memory_space<vmem>>[vector<16xi32>], vector<16xi32>,
    %swap3A_326 = arith.constant 496 : index
    %swap3A_327 = tpu.vector_load %arg10[%swap3A_326] {strides = array<i32>} : memref<512xi32, #tpu.memory_space<vmem>>, vector<16xi32>,
    tpu.vector_store %arg10[%swap3A_326], %gather3A_325 {strides = array<i32>} : memref<512xi32, #tpu.memory_space<vmem>>, vector<16xi32>,
    "tpu.region"() ({
      %run_scoped3A = tpu.sem_alloc : memref<!tpu.dma_semaphore, #tpu.memory_space<semaphore_mem>>
      %dma_start3A_358 = tpu.memref_slice %arg6[%mul3A_2] : memref<16384xi32, #tpu.memory_space<hbm>> -> memref<512xi32, #tpu.memory_space<hbm>>
      %dma_start3A_359 = tpu.memref_slice %arg6[%mul3A_2] : memref<16384xi32, #tpu.memory_space<hbm>> -> memref<512xi32, #tpu.memory_space<hbm>>
      tpu.enqueue_dma source(%arg10 : memref<512xi32, #tpu.memory_space<vmem>>) target(%dma_start3A_359 : memref<512xi32, #tpu.memory_space<hbm>>) target_semaphore(%run_scoped3A : memref<!tpu.dma_semaphore, #tpu.memory_space<semaphore_mem>>)
      %dma_wait3A_360 = tpu.memref_slice %arg6[%mul3A_2] : memref<16384xi32, #tpu.memory_space<hbm>> -> memref<512xi32, #tpu.memory_space<hbm>>
      %dma_wait3A_361 = tpu.memref_slice %arg6[%mul3A_2] : memref<16384xi32, #tpu.memory_space<hbm>> -> memref<512xi32, #tpu.memory_space<hbm>>
      tpu.wait_dma2 semaphore(%run_scoped3A : memref<!tpu.dma_semaphore, #tpu.memory_space<semaphore_mem>>) src(%arg10 : memref<512xi32, #tpu.memory_space<vmem>>) dst(%dma_wait3A_361 : memref<512xi32, #tpu.memory_space<hbm>>)
      tpu.yield
    }) : () -> ()
    %dma_wait3A_328 = arith.constant 0 : i32
    %dma_wait3A_329 = arith.constant 0 : i32
    %dma_wait3A_330 = arith.constant 0 : i32
    %dma_wait3A_331 = tpu.memref_slice %arg8[%dma_wait3A_328, %dma_wait3A_329, %dma_wait3A_330] : memref<2x128x256xf32, #tpu.memory_space<vmem>> -> memref<1x128x256xf32, #tpu.memory_space<vmem>>
    %dma_wait3A_332 = tpu.memref_squeeze %dma_wait3A_331 : memref<1x128x256xf32, #tpu.memory_space<vmem>> -> memref<128x256xf32, #tpu.memory_space<vmem>>
    %dma_wait3A_333 = arith.constant 0 : i32
    %dma_wait3A_334 = arith.constant 0 : i32
    %dma_wait3A_335 = tpu.memref_slice %arg5[%dma_wait3A_333, %dma_wait3A_334] : memref<16384x256xf32, #tpu.memory_space<hbm>> -> memref<128x256xf32, #tpu.memory_space<hbm>>
    %dma_wait3A_336 = arith.constant 0 : i32
    %dma_wait3A_337 = arith.constant 0 : i32
    %dma_wait3A_338 = tpu.memref_slice %arg5[%dma_wait3A_336, %dma_wait3A_337] : memref<16384x256xf32, #tpu.memory_space<hbm>> -> memref<128x256xf32, #tpu.memory_space<hbm>>
    %dma_wait3A_339 = arith.constant 0 : i32
    %dma_wait3A_340 = arith.constant 0 : i32
    %dma_wait3A_341 = tpu.memref_slice %arg8[%dma_wait3A_328, %dma_wait3A_339, %dma_wait3A_340] : memref<2x128x256xf32, #tpu.memory_space<vmem>> -> memref<1x128x256xf32, #tpu.memory_space<vmem>>
    %dma_wait3A_342 = tpu.memref_squeeze %dma_wait3A_341 : memref<1x128x256xf32, #tpu.memory_space<vmem>> -> memref<128x256xf32, #tpu.memory_space<vmem>>
    tpu.wait_dma2 semaphore(%arg13 : memref<!tpu.dma_semaphore, #tpu.memory_space<semaphore_mem>>) src(%dma_wait3A_342 : memref<128x256xf32, #tpu.memory_space<vmem>>) dst(%dma_wait3A_338 : memref<128x256xf32, #tpu.memory_space<hbm>>)
    %dma_wait3A_343 = arith.constant 1 : i32
    %dma_wait3A_344 = arith.constant 0 : i32
    %dma_wait3A_345 = arith.constant 0 : i32
    %dma_wait3A_346 = tpu.memref_slice %arg8[%dma_wait3A_343, %dma_wait3A_344, %dma_wait3A_345] : memref<2x128x256xf32, #tpu.memory_space<vmem>> -> memref<1x128x256xf32, #tpu.memory_space<vmem>>
    %dma_wait3A_347 = tpu.memref_squeeze %dma_wait3A_346 : memref<1x128x256xf32, #tpu.memory_space<vmem>> -> memref<128x256xf32, #tpu.memory_space<vmem>>
    %dma_wait3A_348 = arith.constant 0 : i32
    %dma_wait3A_349 = arith.constant 0 : i32
    %dma_wait3A_350 = tpu.memref_slice %arg5[%dma_wait3A_348, %dma_wait3A_349] : memref<16384x256xf32, #tpu.memory_space<hbm>> -> memref<128x256xf32, #tpu.memory_space<hbm>>
    %dma_wait3A_351 = arith.constant 0 : i32
    %dma_wait3A_352 = arith.constant 0 : i32
    %dma_wait3A_353 = tpu.memref_slice %arg5[%dma_wait3A_351, %dma_wait3A_352] : memref<16384x256xf32, #tpu.memory_space<hbm>> -> memref<128x256xf32, #tpu.memory_space<hbm>>
    %dma_wait3A_354 = arith.constant 0 : i32
    %dma_wait3A_355 = arith.constant 0 : i32
    %dma_wait3A_356 = tpu.memref_slice %arg8[%dma_wait3A_343, %dma_wait3A_354, %dma_wait3A_355] : memref<2x128x256xf32, #tpu.memory_space<vmem>> -> memref<1x128x256xf32, #tpu.memory_space<vmem>>
    %dma_wait3A_357 = tpu.memref_squeeze %dma_wait3A_356 : memref<1x128x256xf32, #tpu.memory_space<vmem>> -> memref<128x256xf32, #tpu.memory_space<vmem>>
    tpu.wait_dma2 semaphore(%arg14 : memref<!tpu.dma_semaphore, #tpu.memory_space<semaphore_mem>>) src(%dma_wait3A_357 : memref<128x256xf32, #tpu.memory_space<vmem>>) dst(%dma_wait3A_353 : memref<128x256xf32, #tpu.memory_space<hbm>>)
    return
  }
}

module attributes {stable_mosaic.version = 14 : i64} {
  func.func @_copy_body(%arg0: i32, %arg1: memref<1024x2048xf32, #tpu.memory_space<vmem>>, %arg2: memref<1024x2048xf32, #tpu.memory_space<vmem>>) attributes {dimension_semantics = [#tpu.dimension_semantics<arbitrary>], iteration_bounds = array<i64: 16>, scalar_prefetch = 0 : i64, scratch_operands = 0 : i64, tpu.core_type = #tpu.core_type<tc>, window_params = [{transform_indices = @transform_0, window_bounds = array<i64: 1024, 2048>}, {transform_indices = @transform_1, window_bounds = array<i64: 1024, 2048>}]} {
    %get3A = arith.constant 0 : index
    %get3A_0 = arith.constant 0 : index
    %get3A_1 = vector.load %arg1[%get3A, %get3A_0] : memref<1024x2048xf32, #tpu.memory_space<vmem>>, vector<1024x2048xf32>
    %swap3A = arith.constant 0 : index
    %swap3A_2 = arith.constant 0 : index
    %swap3A_3 = vector.load %arg2[%swap3A, %swap3A_2] : memref<1024x2048xf32, #tpu.memory_space<vmem>>, vector<1024x2048xf32>
    tpu.vector_store %arg2[%swap3A, %swap3A_2], %get3A_1 {strides = array<i32>} : memref<1024x2048xf32, #tpu.memory_space<vmem>>, vector<1024x2048xf32>,
    return
  }
  func.func @transform_0(%arg0: i32) -> (i32, i32) {
    %c0_i32 = arith.constant 0 : i32
    %c0_i32_0 = arith.constant 0 : i32
    return %arg0, %c0_i32 : i32, i32
  }
  func.func @transform_1(%arg0: i32) -> (i32, i32) {
    %c0_i32 = arith.constant 0 : i32
    %c0_i32_0 = arith.constant 0 : i32
    return %arg0, %c0_i32 : i32, i32
  }
}

module attributes {stable_mosaic.version = 14 : i64} {
  func.func @upd_body(%arg0: i32, %arg1: i32, %arg2: memref<2xi32, #tpu.memory_space<smem>>, %arg3: memref<512x128xf32, #tpu.memory_space<vmem>>, %arg4: memref<512x256xf32, #tpu.memory_space<vmem>>, %arg5: memref<512x256xf32, #tpu.memory_space<vmem>>, %arg6: memref<512x1xi32, #tpu.memory_space<vmem>>, %arg7: memref<1x1x128xf32, #tpu.memory_space<vmem>>, %arg8: memref<512x128xf32, #tpu.memory_space<vmem>>, %arg9: memref<16384x1xf32, #tpu.memory_space<vmem>>) attributes {dimension_semantics = [#tpu.dimension_semantics<arbitrary>, #tpu.dimension_semantics<arbitrary>], iteration_bounds = array<i64: 2, 32>, scalar_prefetch = 1 : i64, scratch_operands = 1 : i64, tpu.core_type = #tpu.core_type<tc>, window_params = [{transform_indices = @transform_0, window_bounds = array<i64: 512, 128>}, {transform_indices = @transform_1, window_bounds = array<i64: 512, 256>}, {transform_indices = @transform_2, window_bounds = array<i64: 512, 256>}, {transform_indices = @transform_3, window_bounds = array<i64: 512, 1>}, {transform_indices = @transform_4, window_bounds = array<i64: 1, 1, 128>}, {transform_indices = @transform_5, window_bounds = array<i64: 512, 128>}]} {
    %eq3A = arith.constant 0 : i32
    %eq3A_0 = arith.cmpi eq, %arg0, %eq3A : i32
    %convert_element_type3A = arith.extui %eq3A_0 : i1 to i32
    %cond3A = arith.constant 0 : i32
    %cond3A_1 = arith.cmpi ne, %convert_element_type3A, %cond3A : i32
    scf.if %cond3A_1 {
      %get3A_18 = arith.constant 0 : index
      %get3A_19 = arith.constant 0 : index
      %get3A_20 = vector.load %arg4[%get3A_18, %get3A_19] : memref<512x256xf32, #tpu.memory_space<vmem>>, vector<512x256xf32>
      %get3A_21 = arith.constant 0 : index
      %get3A_22 = arith.constant 0 : index
      %get3A_23 = vector.load %arg5[%get3A_21, %get3A_22] : memref<512x256xf32, #tpu.memory_space<vmem>>, vector<512x256xf32>
      %mul3A_24 = arith.mulf %get3A_20, %get3A_23 : vector<512x256xf32>
      %reduce_sum3A = arith.constant dense<0.000000e+00> : vector<512xf32>
      %reduce_sum3A_25 = vector.multi_reduction <add>, %mul3A_24, %reduce_sum3A [1] : vector<512x256xf32> to vector<512xf32>
      %broadcast_in_dim3A = vector.shape_cast %reduce_sum3A_25 : vector<512xf32> to vector<512x1xf32>
      %mul3A_26 = arith.mulf %get3A_20, %get3A_20 : vector<512x256xf32>
      %reduce_sum3A_27 = arith.constant dense<0.000000e+00> : vector<512xf32>
      %reduce_sum3A_28 = vector.multi_reduction <add>, %mul3A_26, %reduce_sum3A_27 [1] : vector<512x256xf32> to vector<512xf32>
      %broadcast_in_dim3A_29 = vector.shape_cast %reduce_sum3A_28 : vector<512xf32> to vector<512x1xf32>
      %mul3A_30 = arith.mulf %get3A_23, %get3A_23 : vector<512x256xf32>
      %reduce_sum3A_31 = arith.constant dense<0.000000e+00> : vector<512xf32>
      %reduce_sum3A_32 = vector.multi_reduction <add>, %mul3A_30, %reduce_sum3A_31 [1] : vector<512x256xf32> to vector<512xf32>
      %broadcast_in_dim3A_33 = vector.shape_cast %reduce_sum3A_32 : vector<512xf32> to vector<512x1xf32>
      %max3A = arith.constant 1.000000e-16 : f32
      %max3A_34 = vector.broadcast %max3A : f32 to vector<512x1xf32>
      %max3A_35 = arith.maximumf %broadcast_in_dim3A_29, %max3A_34 : vector<512x1xf32>
      %max3A_36 = arith.constant 1.000000e-16 : f32
      %max3A_37 = vector.broadcast %max3A_36 : f32 to vector<512x1xf32>
      %max3A_38 = arith.maximumf %broadcast_in_dim3A_33, %max3A_37 : vector<512x1xf32>
      %mul3A_39 = arith.mulf %max3A_35, %max3A_38 : vector<512x1xf32>
      %rsqrt3A = math.rsqrt %mul3A_39 : vector<512x1xf32>
      %get3A_40 = arith.constant 0 : index
      %get3A_41 = arith.constant 0 : index
      %get3A_42 = vector.load %arg6[%get3A_40, %get3A_41] : memref<512x1xi32, #tpu.memory_space<vmem>>, vector<512x1xi32>
      %ge3A = arith.constant 50 : i32
      %ge3A_43 = vector.broadcast %ge3A : i32 to vector<512x1xi32>
      %ge3A_44 = arith.cmpi sge, %get3A_42, %ge3A_43 : vector<512x1xi32>
      %mul3A_45 = arith.constant 2.000000e-01 : f32
      %mul3A_46 = vector.broadcast %mul3A_45 : f32 to vector<512x1xf32>
      %mul3A_47 = arith.mulf %mul3A_46, %broadcast_in_dim3A : vector<512x1xf32>
      %mul3A_48 = arith.mulf %mul3A_47, %rsqrt3A : vector<512x1xf32>
      %jit3A = arith.constant 0.000000e+00 : f32
      %broadcast_in_dim3A_49 = vector.broadcast %jit3A : f32 to vector<512x1xf32>
      %select_n3A = arith.select %ge3A_44, %mul3A_48, %broadcast_in_dim3A_49 : vector<512x1xi1>, vector<512x1xf32>
      %mul3A_50 = arith.constant 512 : i32
      %mul3A_51 = arith.muli %arg1, %mul3A_50 : i32
      %swap3A_52 = arith.index_cast %mul3A_51 : i32 to index
      %swap3A_53 = arith.constant 0 : index
      %swap3A_54 = vector.load %arg9[%swap3A_52, %swap3A_53] : memref<16384x1xf32, #tpu.memory_space<vmem>>, vector<512x1xf32>
      tpu.vector_store %arg9[%swap3A_52, %swap3A_53], %select_n3A {strides = array<i32>} : memref<16384x1xf32, #tpu.memory_space<vmem>>, vector<512x1xf32>,
    } else {
    }
    %mul3A = arith.constant 512 : i32
    %mul3A_2 = arith.muli %arg1, %mul3A : i32
    %get3A = arith.index_cast %mul3A_2 : i32 to index
    %get3A_3 = arith.constant 0 : index
    %get3A_4 = vector.load %arg9[%get3A, %get3A_3] : memref<16384x1xf32, #tpu.memory_space<vmem>>, vector<512x1xf32>
    %get3A_5 = arith.constant 0 : index
    %get3A_6 = arith.constant 0 : index
    %get3A_7 = vector.load %arg3[%get3A_5, %get3A_6] : memref<512x128xf32, #tpu.memory_space<vmem>>, vector<512x128xf32>
    %get3A_8 = arith.constant 0 : index
    %get3A_9 = arith.constant 0 : index
    %get3A_10 = arith.constant 0 : index
    %get3A_11 = vector.load %arg7[%get3A_8, %get3A_9, %get3A_10] : memref<1x1x128xf32, #tpu.memory_space<vmem>>, vector<1x1x128xf32>
    %get3A_12 = vector.shape_cast %get3A_11 : vector<1x1x128xf32> to vector<1x128xf32>
    %mul3A_13 = vector.broadcast %get3A_4 : vector<512x1xf32> to vector<512x128xf32>
    %mul3A_14 = vector.broadcast %get3A_12 : vector<1x128xf32> to vector<512x128xf32>
    %mul3A_15 = arith.mulf %mul3A_13, %mul3A_14 : vector<512x128xf32>
    %add3A = arith.addf %get3A_7, %mul3A_15 : vector<512x128xf32>
    %swap3A = arith.constant 0 : index
    %swap3A_16 = arith.constant 0 : index
    %swap3A_17 = vector.load %arg8[%swap3A, %swap3A_16] : memref<512x128xf32, #tpu.memory_space<vmem>>, vector<512x128xf32>
    tpu.vector_store %arg8[%swap3A, %swap3A_16], %add3A {strides = array<i32>} : memref<512x128xf32, #tpu.memory_space<vmem>>, vector<512x128xf32>,
    return
  }
  func.func @transform_0(%arg0: i32, %arg1: i32, %arg2: memref<2xi32, #tpu.memory_space<smem>>) -> (i32, i32) {
    %get3A = arith.index_cast %arg0 : i32 to index
    %get3A_0 = memref.load %arg2[%get3A] : memref<2xi32, #tpu.memory_space<smem>>
    %c0_i32 = arith.constant 0 : i32
    return %arg1, %get3A_0 : i32, i32
  }
  func.func @transform_1(%arg0: i32, %arg1: i32, %arg2: memref<2xi32, #tpu.memory_space<smem>>) -> (i32, i32) {
    %eq3A = arith.constant 0 : i32
    %eq3A_0 = arith.cmpi eq, %arg0, %eq3A : i32
    %jit3A = arith.constant 0 : i32
    %select_n3A = arith.select %eq3A_0, %arg1, %jit3A : i32
    %c0_i32 = arith.constant 0 : i32
    %c0_i32_1 = arith.constant 0 : i32
    return %select_n3A, %c0_i32 : i32, i32
  }
  func.func @transform_2(%arg0: i32, %arg1: i32, %arg2: memref<2xi32, #tpu.memory_space<smem>>) -> (i32, i32) {
    %eq3A = arith.constant 0 : i32
    %eq3A_0 = arith.cmpi eq, %arg0, %eq3A : i32
    %jit3A = arith.constant 0 : i32
    %select_n3A = arith.select %eq3A_0, %arg1, %jit3A : i32
    %c0_i32 = arith.constant 0 : i32
    %c0_i32_1 = arith.constant 0 : i32
    return %select_n3A, %c0_i32 : i32, i32
  }
  func.func @transform_3(%arg0: i32, %arg1: i32, %arg2: memref<2xi32, #tpu.memory_space<smem>>) -> (i32, i32) {
    %eq3A = arith.constant 0 : i32
    %eq3A_0 = arith.cmpi eq, %arg0, %eq3A : i32
    %jit3A = arith.constant 0 : i32
    %select_n3A = arith.select %eq3A_0, %arg1, %jit3A : i32
    %c0_i32 = arith.constant 0 : i32
    %c0_i32_1 = arith.constant 0 : i32
    return %select_n3A, %c0_i32 : i32, i32
  }
  func.func @transform_4(%arg0: i32, %arg1: i32, %arg2: memref<2xi32, #tpu.memory_space<smem>>) -> (i32, i32, i32) {
    %c0_i32 = arith.constant 0 : i32
    %c0_i32_0 = arith.constant 0 : i32
    %c0_i32_1 = arith.constant 0 : i32
    return %arg0, %c0_i32, %c0_i32_0 : i32, i32, i32
  }
  func.func @transform_5(%arg0: i32, %arg1: i32, %arg2: memref<2xi32, #tpu.memory_space<smem>>) -> (i32, i32) {
    %get3A = arith.index_cast %arg0 : i32 to index
    %get3A_0 = memref.load %arg2[%get3A] : memref<2xi32, #tpu.memory_space<smem>>
    %c0_i32 = arith.constant 0 : i32
    return %arg1, %get3A_0 : i32, i32
  }
}

</mosaic_0001>

<sc_bundles>
// kernel: kernel.5.cloned.1.call-start
scs
__scs_entry_jumppad:
0x0: {  	(pc) =	sbr.rel $0x88, $3  }
0x1: {  	(tag) =	ssettag $0x0;
	lr =	simm.s32 $0x1  }
0x2: {  	[smem:$0x3F9A] =	sst lr;
	_ =	strace $0xD0000000  }
0x3: {  	_ = 	snop  }
0x4: {  	_ = 	snop  }
0x5: {  	_ = 	snop  }
0x6: {  	_ = 	snop  }
0x7: {  	_ = 	snop  }
__scs_overlays_trampoline_lowered:
0x8: {  	[smem:$0x3FA9] =	sst s0  }
0x9: {  	[smem:$0x3FAA] =	sst s1  }
0xa: {  	[smem:$0x3FAB] =	sst s2  }
0xb: {  	[smem:$0x3FAC] =	sst s3  }
0xc: {  	[smem:$0x3FAD] =	sst s4  }
0xd: {  	[smem:$0x3FAE] =	sst s5  }
0xe: {  	[smem:$0x3FAF] =	sst s6  }
0xf: {  	[smem:$0x3FB0] =	sst s7  }
0x10: {  	[smem:$0x3FB1] =	sst s8  }
0x11: {  	[smem:$0x3FB2] =	sst s9;
	s0 =	simm.s32 @!p0 $0x0  }
0x12: {  	s1 =	sld [smem:$0x3F98];
	s0 =	simm.s32 @p0 $0x1  }
0x13: {  	[smem:$0x3FB3] =	sst s0;
	s0 =	simm.s32 @!p1 $0x0  }
0x14: {  	s2 =	sld [smem:$0x3F97];
	s0 =	simm.s32 @p1 $0x1  }
0x15: {  	[smem:$0x3FB4] =	sst s0;
	s0 =	simm.s32 @!p2 $0x0  }
0x16: {  	s3 =	sld [smem:$0x3FDB];
	s0 =	simm.s32 @p2 $0x1  }
0x17: {  	s4 =	simm.s32 $0x1BF5;
	[smem:$0x3FB6] =	sst s0  }
0x18: {  	s0 =	sld [smem:$0x3F99];
	_ =	swait.ge [sflag:s4], $0x0  }
0x19: {  	s7 =	sld [smem:$0x3F9A]  }
0x1a: {  	s8 =	sadd.s32 $0xFFFFE003, lr  }
0x1b: {  	s9 =	sadd.s32 $0xFFFFFEF7, lr;
	s5 =	simm.s32 $0xFFFFFFFF;
	p2 =	slt.u32 s8, $0xFFFFF086  }
0x1c: {  	p1 =	slt.u32 s9, $0xF7A;
	s5 =	simm.s32 @!p2 $0x0  }
0x1d: {  	s5 =	simm.s32 @p1 $0x1;
	p0 =	seq.s32 s7, s2  }
0x1e: {  	s7 =	smul.u32 @!p0 $0xF7A, s2;
	p2 =	seq.s32 @!p0 s5, $0x0  }
0x1f: {  	s9 =	smul.u32 $0xF7A, s1;
	s8 =	simm.s32 @!p0 $0x1BF5;
	p2 =	por !p2, p0  }
0x20: {  	[sflag:s8] =	ssyncset.s32 @!p0 $0xFFFFF086;
	s6 =	sadd.s32 @!p0 s3, s7;
	s7 =	simm.s32 @!p0 $0x108  }
0x21: {  	s3 =	sadd.s32 s3, s9;
	s6 =	sadd.s32 @!p0 $0x88, s6;
	s7 =	simm.s32 @p2 $0x1082  }
0x22: {  	[simem:s7], [sflag:s8] =	dma.local @!p0 [hbm:s6], $0xF7A  }
0x23: {  	s9 =	sor.u32 $0xD0000000, s2;
	s6 =	simm.s32 $0x108;
	_ =	swait.ge @!p0 [sflag:s8], $0x0  }
0x24: {  	s3 =	sadd.s32 $0x88, s3;
	s6 =	simm.s32 @!p1 $0x1082;
	[sflag:s4] =	ssyncset.s32 $0xFFFFF086  }
0x25: {  	[simem:s6], [sflag:s4] =	dma.local [hbm:s3], $0xF7A  }
0x26: {  	[smem:$0x3F9A] =	sst s1;
	(tag) =	ssettag s2;
	_ =	strace s9  }
0x27: {  	s1 =	sld [smem:$0x3FAA]  }
0x28: {  	s2 =	sld [smem:$0x3FAB]  }
0x29: {  	s4 =	sld [smem:$0x3FAD]  }
0x2a: {  	p0 =	seq.s32 s5, $0x0;
	s5 =	sld [smem:$0x3FAE]  }
0x2b: {  	s6 =	sld [smem:$0x3FAF]  }
0x2c: {  	s7 =	sld [smem:$0x3FB0]  }
0x2d: {  	s3 =	simm.s32 $0x108;
	s8 =	sld [smem:$0x3FB1]  }
0x2e: {  	s3 =	simm.s32 @!p0 $0x1082;
	s9 =	sld [smem:$0x3FB2]  }
0x2f: {  	lr =	sadd.s32 s0, s3;
	s0 =	sld [smem:$0x3FA9]  }
0x30: {  	s3 =	sld [smem:$0x3FAC]  }
0x31: {  	[smem:$0x3FB5] =	sst s10  }
0x32: {  	s10 =	sld [smem:$0x3FB3];
	_ =	sdelay $0x3  }
0x33: {  	p0 =	seq.s32 s10, $0x1;
	s10 =	sld [smem:$0x3FB5];
	_ =	sdelay $0x3  }
0x34: {  	[smem:$0x3FB5] =	sst s10  }
0x35: {  	s10 =	sld [smem:$0x3FB4];
	_ =	sdelay $0x3  }
0x36: {  	p1 =	seq.s32 s10, $0x1;
	s10 =	sld [smem:$0x3FB5];
	_ =	sdelay $0x3  }
0x37: {  	[smem:$0x3FB5] =	sst s10  }
0x38: {  	s10 =	sld [smem:$0x3FB6]  }
0x39: {  	_ = 	snop;
	(pc) =	sbr.ind lr, $3  }
0x3a: {  	_ = 	snop  }
0x3b: {  	_ = 	snop  }
0x3c: {  	p2 =	seq.s32 s10, $0x1;
	s10 =	sld [smem:$0x3FB5]  }
0x3d: {  	_ =	shalt  }
0x3e: {  	_ =	shalt  }
0x3f: {  	_ =	shalt  }
0x40: {  	_ =	shalt  }
0x41: {  	_ =	shalt  }
0x42: {  	_ =	shalt  }
0x43: {  	_ =	shalt  }
0x44: {  	_ =	shalt  }
0x45: {  	_ =	shalt  }
0x46: {  	_ =	shalt  }
0x47: {  	_ =	shalt  }
0x48: {  	_ =	shalt  }
0x49: {  	_ =	shalt  }
0x4a: {  	_ =	shalt  }
0x4b: {  	_ =	shalt  }
0x4c: {  	_ =	shalt  }
0x4d: {  	_ =	shalt  }
0x4e: {  	_ =	shalt  }
0x4f: {  	_ =	shalt  }
0x50: {  	_ =	shalt  }
0x51: {  	_ =	shalt  }
0x52: {  	_ =	shalt  }
0x53: {  	_ =	shalt  }
0x54: {  	_ =	shalt  }
0x55: {  	_ =	shalt  }
0x56: {  	_ =	shalt  }
0x57: {  	_ =	shalt  }
0x58: {  	_ =	shalt  }
0x59: {  	_ =	shalt  }
0x5a: {  	_ =	shalt  }
0x5b: {  	_ =	shalt  }
0x5c: {  	_ =	shalt  }
0x5d: {  	_ =	shalt  }
0x5e: {  	_ =	shalt  }
0x5f: {  	_ =	shalt  }
0x60: {  	_ =	shalt  }
0x61: {  	_ =	shalt  }
0x62: {  	_ =	shalt  }
0x63: {  	_ =	shalt  }
0x64: {  	_ =	shalt  }
0x65: {  	_ =	shalt  }
0x66: {  	_ =	shalt  }
0x67: {  	_ =	shalt  }
0x68: {  	_ =	shalt  }
0x69: {  	_ =	shalt  }
0x6a: {  	_ =	shalt  }
0x6b: {  	_ =	shalt  }
0x6c: {  	_ =	shalt  }
0x6d: {  	_ =	shalt  }
0x6e: {  	_ =	shalt  }
0x6f: {  	_ =	shalt  }
0x70: {  	_ =	shalt  }
0x71: {  	_ =	shalt  }
0x72: {  	_ =	shalt  }
0x73: {  	_ =	shalt  }
0x74: {  	_ =	shalt  }
0x75: {  	_ =	shalt  }
0x76: {  	_ =	shalt  }
0x77: {  	_ =	shalt  }
0x78: {  	_ =	shalt  }
0x79: {  	_ =	shalt  }
0x7a: {  	_ =	shalt  }
0x7b: {  	_ =	shalt  }
0x7c: {  	_ =	shalt  }
0x7d: {  	_ =	shalt  }
0x7e: {  	_ =	shalt  }
0x7f: {  	_ =	shalt  }
0x80: {  	_ =	shalt  }
0x81: {  	_ =	shalt  }
0x82: {  	_ =	shalt  }
0x83: {  	_ =	shalt  }
0x84: {  	_ =	shalt  }
0x85: {  	_ =	shalt  }
0x86: {  	_ =	shalt  }
0x87: {  	_ =	shalt  }
.Lfunc_end0:
.L_simem_size_0:
called_computation_lowered:
.L_overlay_start_0:
0x88: {  	s2 =	sld [smem:$0x3FD9]  }
0x89: {  	s3 =	sld [smem:$0x3FFE];
	_ =	sdelay $0x1  }
0x8a: {  	s1 =	srdreg.scid  }
0x8b: {  	s0 =	sand.u32 $0x1, s1  }
0x8c: {  	s17 =	sshll.u32 s0, $0xA;
	s2 =	sadd.s32 s3, s2  }
0x8d: {  	s2 =	sadd.s32 s2, s17  }
0x8e: {  	[smem:$0x3FC1] =	sst s2  }
0x8f: {  	_ = 	snop  }
0x90: {  	s2 =	sld [smem:$0x3FC4]  }
0x91: {  	s18 =	sld [smem:$0x3FC3];
	(tm) =	ssettm $0x1  }
0x92: {  	s4 =	sld [smem:$0x3FFB];
	_ =	sdelay $0x3  }
0x93: {  	_ =	strace s4  }
0x94: {  	s4 =	sld [smem:$0x3FFC];
	_ =	sdelay $0x3  }
0x95: {  	_ =	strace s4  }
0x96: {  	s4 =	sld [smem:$0x3FFD];
	_ =	sdelay $0x3  }
0x97: {  	_ =	strace s4  }
0x98: {  	_ =	strace $0x8FFFFFFF  }
0x99: {  	s19 =	sld [smem:$0x3FDB];
	_ =	sdelay $0x1  }
0x9a: {  	s5 =	simm.s32 $_scs_section_size  }
0x9b: {  	s6 =	simm.s32 $_size__tile_overlayer_lowered;
	s7 =	simm.s32 $_tile_overlayer_lowered  }
0x9c: {  	s22 =	simm.s32 $0x1BFF;
	s21 =	sshll.u32 s7, $0x1;
	s4 =	sadd.s32 s5, s19  }
0x9d: {  	s8 =	simm.s32 $0x0;
	s20 =	sshll.u32 s6, $0x1;
	s6 =	sadd.s32 s21, s4  }
0x9e: {  	[timem:s8], [sflag:s22] =	dma.local [hbm:s6], s20  }
0x9f: {  	_ =	swait.ge [sflag:s22], s20  }
0xa0: {  	s5 =	ssub.s32 $0x0, s20;
	[sflag:s22] =	ssyncset.done $0x0  }
0xa1: {  	[sflag:s22] =	ssyncadd.s32 s5;
	_ =	sdelay $0x1  }
0xa2: {  	s23 =	simm.s32 $0x1B8B  }
0xa3: {  	_ =	swait.ge [sflag:s23], $0x1  }
0xa4: {  	[sflag:s23] =	ssyncset.done $0x0  }
0xa5: {  	s25 =	simm.s32 $0x1B8E;
	s24 =	sld [smem:$0x3FFE];
	[sflag:s23] =	ssyncadd.s32 $0xFFFFFFFF  }
0xa6: {  	s26 =	simm.s32 $execute0_lowered;
	[smem:$0x3FD2] =	sst s25  }
0xa7: {  	s6 =	sshll.u32 s26, $0x1;
	_ =	strace $0x80000046;
	[dreg:$0x1] =	wrdreg $0xFFFFFFFF  }
0xa8: {  	s28 =	simm.s32 $_size_execute0_lowered;
	s4 =	sadd.s32 s4, s6;
	[dreg:$0x0] =	wrdreg $0x0  }
0xa9: {  	s6 =	sshll.u32 s28, $0x1;
	[dreg:$0x2] =	wrdreg s4  }
0xaa: {  	[dreg:$0x3] =	wrdreg s6  }
0xab: {  	[dreg:$0x4] =	wrdreg $0xC0  }
0xac: {  	_ =	task [dreg:s8], $0x5FFFF  }
0xad: {  	[dreg:$0x1] =	wrdreg $0xFFFFFFFF  }
0xae: {  	[dreg:$0x0] =	wrdreg $0x60  }
0xaf: {  	[dreg:$0x2] =	wrdreg s24  }
0xb0: {  	[dreg:$0x3] =	wrdreg s2  }
0xb1: {  	[dreg:$0x4] =	wrdreg s18  }
0xb2: {  	[dreg:$0x5] =	wrdreg $0x9  }
0xb3: {  	_ =	task.clear_ibuf [dreg:s8], $0x6FFFF;
	_ =	strace $0x90000046  }
0xb4: {  	s29 =	simm.s32 $0x9;
	_ =	strace $0x80000048  }
0xb5: {  	_ =	swait.ge [sflag:s29], $0x1  }
0xb6: {  	[sflag:s29] =	ssyncadd.s32 $0xFFFFFFFF  }
0xb7: {  	_ =	strace $0x90000048  }
0xb8: {  	_ =	sfence  }
0xb9: {  	s30 =	sld [smem:$0x0];
	_ =	sdelay $0x2  }
0xba: {  	s31 =	sshll.u32 s1, $0xD;
	s1 =	sshrl.u32 s1, $0x2  }
0xbb: {  	s3 =	sand.u32 $0x4000, s31;
	s1 =	sadd.s32 s1, s30  }
0xbc: {  	s0 =	sor.u32 s3, s0;
	s1 =	sshll.u32 s1, $0x11  }
0xbd: {  	s0 =	sor.u32 s1, s0  }
0xbe: {  	s0 =	sadd.s32 $0x8F2B, s0  }
0xbf: {  	[sflag:s0] =	ssyncadd.remote.s32 $0x1  }
0xc0: {  	_ =	sfence.sel $0xFFFF  }
0xc1: {  	[dreg:$0x0] =	wrdreg $0xFFFFFFFF;
	(pc) =	sbr.abs _section_cstart, $3  }
0xc2: {  	[dreg:$0x1] =	wrdreg $0xFFFFFFFF  }
0xc3: {  	_ =	task.clear_ibuf [dreg:s8], $0x2FFFF;
	_ =	strace $0x9FFFFFFF  }
0xc4: {  	(tm) =	ssettm $0x7FFFFFFF  }
0xc5: {  	_ =	shalt  }
tec
execute0_lowered:
.L_overlay_start_1:
0x0: {  	(tag) =	ssettag $0x1  }
0x1: {  	s0 =	rddreg [dreg:$0x0]  }
0x2: {  	s2 =	srdreg.scid;
	s1 =	rddreg [dreg:$0x1]  }
0x3: {  	s4 =	stileid.u32;
	s3 =	rddreg [dreg:$0x2];
	s11 =	simm.s32 $0x5  }
0x4: {  	s26 =	simm.s32 $0x12200;
	s20 =	simm.s32 $0x1200;
	s28 =	simm.s32 $0x4200  }
0x5: {  	s29 =	simm.s32 $0x4A00;
	s30 =	simm.s32 $0x5200;
	s31 =	simm.s32 $0x5A00  }
0x6: {  	s10 =	simm.s32 $0x6200;
	s9 =	simm.s32 $0x7A00;
	s14 =	simm.s32 $0x8200  }
0x7: {  	s12 =	simm.s32 $0x9A00;
	s13 =	simm.s32 $0xA200;
	s15 =	simm.s32 $0xB200  }
0x8: {  	s16 =	simm.s32 $0xBA00;
	s2 =	sand.u32 $0x1, s2;
	s4 =	sshll.u32 s4, $0xA  }
0x9: {  	[dreg:$0x4] =	wrdreg s3;
	s3 =	simm.s32 $0x0;
	s5 =	sshll.u32 s2, $0x9  }
0xa: {  	s17 =	simm.s32 $0xC200;
	[smem:$0x7FF] =	sst s3;
	s4 =	sor.u32 s5, s4  }
0xb: {  	s2 =	ssub.s32 $0x2, s2;
	_ =	strace $0x80000047;
	s5 =	sshrl.u32 s4, $0x3  }
0xc: {  	s6 =	sshrl.u32 s2, $0x1;
	s4 =	sshll.u32 s4, $0x5;
	s5 =	sadd.s32 s5, s0  }
0xd: {  	[dreg:$0xb] =	wrdreg s26;
	s0 =	sadd.s32 s4, s0;
	s21 =	sadd.s32 $0x800, s5  }
0xe: {  	s26 =	simm.s32 $0x3A00;
	s22 =	sadd.s32 $0x1800, s0;
	[dreg:$0x5] =	wrdreg s21  }
0xf: {  	s2 =	ssub.s32 s2, s6;
	s23 =	sadd.s32 $0x2800, s0;
	[dreg:$0x6] =	wrdreg s22  }
0x10: {  	s6 =	simm.s32 $0x10200;
	s24 =	sadd.s32 $0x3800, s0;
	[dreg:$0x7] =	wrdreg s23  }
0x11: {  	s4 =	smax.u32 s2, $0x1;
	s0 =	sadd.s32 $0x4800, s0;
	[dreg:$0x8] =	wrdreg s24  }
0x12: {  	v2 =	vlaneseq.u32;
	s2 =	simm.s32 $0x3;
	s25 =	sadd.s32 $0x1000, s5;
	[dreg:$0x9] =	wrdreg s0  }
0x13: {  	vm0 =	vmmov $0xffff;
	v1 =	vshrl.u32 v2, $0x3;
	[dreg:$0xa] =	wrdreg s25;
	s21 =	simm.s32 $0x1A00;
	s22 =	simm.s32 $0x2200  }
0x14: {  	v0 =	vand.u32 $0x7, v2;
	v2 =	vor.u32 $0x8, v2;
	v1 =	vmul.u32 $0x8, v1;
	s24 =	simm.s32 $0x2A00;
	s25 =	simm.s32 $0x3200;
	s23 =	simm.s32 $0xCA00  }
.LBB2_1:
0x15: {  	s18 =	rddreg [dreg:$0x5]  }
0x16: {  	[tilespmem:s3], [sflag:$0x5] =	stream.linear.gather [hbm4b:s18+s3], $0x200, $0x38;
	[tilespmem:$0x12400] =	vst v63  }
0x17: {  	_ =	swait.ge [sflag:s11], $0x200  }
0x18: {  	[sflag:s11] =	ssyncset.done $0x0  }
0x19: {  	s0 =	rddreg [dreg:$0x4];
	[sflag:s11] =	ssyncadd.s32 $0xFFFFFE00  }
0x1a: {  	[tilespmem:s6], [sflag:$0x5] =	stream.linear.gather [hbm4b:s0+s3], $0x2000, $0x38;
	[tilespmem:$0x12400] =	vst v63  }
0x1b: {  	_ =	swait.ge [sflag:s11], $0x2000  }
0x1c: {  	[sflag:s11] =	ssyncset.done $0x0  }
0x1d: {  	[sflag:s11] =	ssyncadd.s32 $0xFFFFE000  }
0x1e: {  	v3 =	vld [tilespmem:$0x0];
	_ =	sdelay $0x4  }
0x1f: {  	v4 =	vshll.u32 v3, $0x1  }
0x20: {  	v3 =	vand.u32 $0x7, v3;
	v4 =	vand.u32 $0xFFFFFFF0, v4  }
0x21: {  	v3 =	vor.u32 v3, v4  }
0x22: {  	v4 =	vperm.xlane v3, v0;
	_ =	sdelay $0x1  }
0x23: {  	v3 =	vperm.xlane v3, v2;
	v4 =	vadd.s32 v1, v4;
	_ =	sdelay $0x1  }
0x24: {  	v3 =	vadd.s32 v1, v3;
	_ =	sdelay $0x1  }
0x25: {  	s0 =	simm.s32 $0x200  }
0x26: {  	[tilespmem:s0], [sflag:$0x1] =	stream.indirect_vreg.gather [hbm4b:s1+s3], $0x80, v4, vm0, $0xb8;
	[tilespmem:$0x12400] =	vst v63  }
0x27: {  	s19 =	simm.s32 $0xA00  }
0x28: {  	[tilespmem:s19], [sflag:$0x1] =	stream.indirect_vreg.gather [hbm4b:s1+s3], $0x80, v3, vm0, $0xb8;
	[tilespmem:$0x12400] =	vst v63  }
0x29: {  	v3 =	vld [tilespmem:$0x10];
	_ =	sdelay $0x4  }
0x2a: {  	v59 =	vshll.u32 v3, $0x1  }
0x2b: {  	v3 =	vand.u32 $0x7, v3;
	v4 =	vand.u32 $0xFFFFFFF0, v59  }
0x2c: {  	v3 =	vor.u32 v3, v4  }
0x2d: {  	v4 =	vperm.xlane v3, v0;
	_ =	sdelay $0x1  }
0x2e: {  	v3 =	vperm.xlane v3, v2;
	v4 =	vadd.s32 v1, v4;
	_ =	sdelay $0x1  }
0x2f: {  	v3 =	vadd.s32 v1, v3;
	_ =	sdelay $0x2  }
0x30: {  	[tilespmem:s20], [sflag:$0x1] =	stream.indirect_vreg.gather [hbm4b:s1+s3], $0x80, v4, vm0, $0xb8;
	[tilespmem:$0x12400] =	vst v63  }
0x31: {  	_ = 	snop  }
0x32: {  	[tilespmem:s21], [sflag:$0x1] =	stream.indirect_vreg.gather [hbm4b:s1+s3], $0x80, v3, vm0, $0xb8;
	[tilespmem:$0x12400] =	vst v63  }
0x33: {  	v3 =	vld [tilespmem:$0x20];
	_ =	sdelay $0x4  }
0x34: {  	v60 =	vshll.u32 v3, $0x1  }
0x35: {  	v3 =	vand.u32 $0x7, v3;
	v4 =	vand.u32 $0xFFFFFFF0, v60  }
0x36: {  	v3 =	vor.u32 v3, v4  }
0x37: {  	v4 =	vperm.xlane v3, v0;
	_ =	sdelay $0x1  }
0x38: {  	v3 =	vperm.xlane v3, v2;
	v4 =	vadd.s32 v1, v4;
	_ =	sdelay $0x1  }
0x39: {  	v3 =	vadd.s32 v1, v3;
	_ =	sdelay $0x2  }
0x3a: {  	[tilespmem:s22], [sflag:$0x1] =	stream.indirect_vreg.gather [hbm4b:s1+s3], $0x80, v4, vm0, $0xb8;
	[tilespmem:$0x12400] =	vst v63  }
0x3b: {  	_ = 	snop  }
0x3c: {  	[tilespmem:s24], [sflag:$0x1] =	stream.indirect_vreg.gather [hbm4b:s1+s3], $0x80, v3, vm0, $0xb8;
	[tilespmem:$0x12400] =	vst v63  }
0x3d: {  	v3 =	vld [tilespmem:$0x30];
	_ =	sdelay $0x4  }
0x3e: {  	v61 =	vshll.u32 v3, $0x1  }
0x3f: {  	v3 =	vand.u32 $0x7, v3;
	v4 =	vand.u32 $0xFFFFFFF0, v61  }
0x40: {  	v3 =	vor.u32 v3, v4  }
0x41: {  	v4 =	vperm.xlane v3, v0;
	_ =	sdelay $0x1  }
0x42: {  	v3 =	vperm.xlane v3, v2;
	v4 =	vadd.s32 v1, v4;
	_ =	sdelay $0x1  }
0x43: {  	v3 =	vadd.s32 v1, v3;
	_ =	sdelay $0x2  }
0x44: {  	[tilespmem:s25], [sflag:$0x1] =	stream.indirect_vreg.gather [hbm4b:s1+s3], $0x80, v4, vm0, $0xb8;
	[tilespmem:$0x12400] =	vst v63  }
0x45: {  	_ = 	snop  }
0x46: {  	[tilespmem:s26], [sflag:$0x1] =	stream.indirect_vreg.gather [hbm4b:s1+s3], $0x80, v3, vm0, $0xb8;
	[tilespmem:$0x12400] =	vst v63  }
0x47: {  	v3 =	vld [tilespmem:$0x40];
	_ =	sdelay $0x4  }
0x48: {  	v62 =	vshll.u32 v3, $0x1  }
0x49: {  	v3 =	vand.u32 $0x7, v3;
	v4 =	vand.u32 $0xFFFFFFF0, v62  }
0x4a: {  	v3 =	vor.u32 v3, v4  }
0x4b: {  	v4 =	vperm.xlane v3, v0;
	_ =	sdelay $0x1  }
0x4c: {  	v3 =	vperm.xlane v3, v2;
	v4 =	vadd.s32 v1, v4;
	_ =	sdelay $0x1  }
0x4d: {  	v3 =	vadd.s32 v1, v3;
	_ =	sdelay $0x2  }
0x4e: {  	[tilespmem:s28], [sflag:$0x1] =	stream.indirect_vreg.gather [hbm4b:s1+s3], $0x80, v4, vm0, $0xb8;
	[tilespmem:$0x12400] =	vst v63  }
0x4f: {  	_ = 	snop  }
0x50: {  	[tilespmem:s29], [sflag:$0x1] =	stream.indirect_vreg.gather [hbm4b:s1+s3], $0x80, v3, vm0, $0xb8;
	[tilespmem:$0x12400] =	vst v63  }
0x51: {  	v3 =	vld [tilespmem:$0x50];
	_ =	sdelay $0x4  }
0x52: {  	v63 =	vshll.u32 v3, $0x1  }
0x53: {  	v3 =	vand.u32 $0x7, v3;
	v4 =	vand.u32 $0xFFFFFFF0, v63  }
0x54: {  	v3 =	vor.u32 v3, v4  }
0x55: {  	v4 =	vperm.xlane v3, v0;
	_ =	sdelay $0x1  }
0x56: {  	v3 =	vperm.xlane v3, v2;
	v4 =	vadd.s32 v1, v4;
	_ =	sdelay $0x1  }
0x57: {  	v3 =	vadd.s32 v1, v3;
	_ =	sdelay $0x2  }
0x58: {  	[tilespmem:s30], [sflag:$0x1] =	stream.indirect_vreg.gather [hbm4b:s1+s3], $0x80, v4, vm0, $0xb8;
	[tilespmem:$0x12400] =	vst v63  }
0x59: {  	_ = 	snop  }
0x5a: {  	[tilespmem:s31], [sflag:$0x1] =	stream.indirect_vreg.gather [hbm4b:s1+s3], $0x80, v3, vm0, $0xb8;
	[tilespmem:$0x12400] =	vst v63  }
0x5b: {  	v3 =	vld [tilespmem:$0x60];
	_ =	sdelay $0x4  }
0x5c: {  	v8 =	vshll.u32 v3, $0x1  }
0x5d: {  	v3 =	vand.u32 $0x7, v3;
	v4 =	vand.u32 $0xFFFFFFF0, v8  }
0x5e: {  	v3 =	vor.u32 v3, v4  }
0x5f: {  	v4 =	vperm.xlane v3, v0;
	_ =	sdelay $0x1  }
0x60: {  	v3 =	vperm.xlane v3, v2;
	v4 =	vadd.s32 v1, v4;
	_ =	sdelay $0x1  }
0x61: {  	v3 =	vadd.s32 v1, v3;
	_ =	sdelay $0x2  }
0x62: {  	[tilespmem:s10], [sflag:$0x1] =	stream.indirect_vreg.gather [hbm4b:s1+s3], $0x80, v4, vm0, $0xb8;
	[tilespmem:$0x12400] =	vst v63  }
0x63: {  	s7 =	simm.s32 $0x6A00  }
0x64: {  	[tilespmem:s7], [sflag:$0x1] =	stream.indirect_vreg.gather [hbm4b:s1+s3], $0x80, v3, vm0, $0xb8;
	[tilespmem:$0x12400] =	vst v63  }
0x65: {  	v3 =	vld [tilespmem:$0x70];
	_ =	sdelay $0x4  }
0x66: {  	v9 =	vshll.u32 v3, $0x1  }
0x67: {  	v3 =	vand.u32 $0x7, v3;
	v4 =	vand.u32 $0xFFFFFFF0, v9  }
0x68: {  	v3 =	vor.u32 v3, v4  }
0x69: {  	v4 =	vperm.xlane v3, v0;
	_ =	sdelay $0x1  }
0x6a: {  	v3 =	vperm.xlane v3, v2;
	v4 =	vadd.s32 v1, v4;
	_ =	sdelay $0x1  }
0x6b: {  	v3 =	vadd.s32 v1, v3;
	_ =	sdelay $0x1  }
0x6c: {  	s8 =	simm.s32 $0x7200  }
0x6d: {  	[tilespmem:s8], [sflag:$0x1] =	stream.indirect_vreg.gather [hbm4b:s1+s3], $0x80, v4, vm0, $0xb8;
	[tilespmem:$0x12400] =	vst v63  }
0x6e: {  	_ = 	snop  }
0x6f: {  	[tilespmem:s9], [sflag:$0x1] =	stream.indirect_vreg.gather [hbm4b:s1+s3], $0x80, v3, vm0, $0xb8;
	[tilespmem:$0x12400] =	vst v63  }
0x70: {  	v3 =	vld [tilespmem:$0x80];
	_ =	sdelay $0x4  }
0x71: {  	v10 =	vshll.u32 v3, $0x1  }
0x72: {  	v3 =	vand.u32 $0x7, v3;
	v4 =	vand.u32 $0xFFFFFFF0, v10  }
0x73: {  	v3 =	vor.u32 v3, v4  }
0x74: {  	v4 =	vperm.xlane v3, v0;
	_ =	sdelay $0x1  }
0x75: {  	v3 =	vperm.xlane v3, v2;
	v4 =	vadd.s32 v1, v4;
	_ =	sdelay $0x1  }
0x76: {  	v3 =	vadd.s32 v1, v3;
	_ =	sdelay $0x2  }
0x77: {  	[tilespmem:s14], [sflag:$0x2] =	stream.indirect_vreg.gather [hbm4b:s1+s3], $0x80, v4, vm0, $0xb8;
	[tilespmem:$0x12400] =	vst v63  }
0x78: {  	s5 =	simm.s32 $0x8A00  }
0x79: {  	[tilespmem:s5], [sflag:$0x2] =	stream.indirect_vreg.gather [hbm4b:s1+s3], $0x80, v3, vm0, $0xb8;
	[tilespmem:$0x12400] =	vst v63  }
0x7a: {  	v3 =	vld [tilespmem:$0x90];
	_ =	sdelay $0x4  }
0x7b: {  	v11 =	vshll.u32 v3, $0x1  }
0x7c: {  	v3 =	vand.u32 $0x7, v3;
	v4 =	vand.u32 $0xFFFFFFF0, v11  }
0x7d: {  	v3 =	vor.u32 v3, v4  }
0x7e: {  	v4 =	vperm.xlane v3, v0;
	_ =	sdelay $0x1  }
0x7f: {  	v3 =	vperm.xlane v3, v2;
	v4 =	vadd.s32 v1, v4;
	_ =	sdelay $0x1  }
0x80: {  	v3 =	vadd.s32 v1, v3;
	_ =	sdelay $0x1  }
0x81: {  	s18 =	simm.s32 $0x9200  }
0x82: {  	[tilespmem:s18], [sflag:$0x2] =	stream.indirect_vreg.gather [hbm4b:s1+s3], $0x80, v4, vm0, $0xb8;
	[tilespmem:$0x12400] =	vst v63  }
0x83: {  	_ = 	snop  }
0x84: {  	[tilespmem:s12], [sflag:$0x2] =	stream.indirect_vreg.gather [hbm4b:s1+s3], $0x80, v3, vm0, $0xb8;
	[tilespmem:$0x12400] =	vst v63  }
0x85: {  	v3 =	vld [tilespmem:$0xA0];
	_ =	sdelay $0x4  }
0x86: {  	v12 =	vshll.u32 v3, $0x1  }
0x87: {  	v3 =	vand.u32 $0x7, v3;
	v4 =	vand.u32 $0xFFFFFFF0, v12  }
0x88: {  	v3 =	vor.u32 v3, v4  }
0x89: {  	v4 =	vperm.xlane v3, v0;
	_ =	sdelay $0x1  }
0x8a: {  	v3 =	vperm.xlane v3, v2;
	v4 =	vadd.s32 v1, v4;
	_ =	sdelay $0x1  }
0x8b: {  	v3 =	vadd.s32 v1, v3;
	_ =	sdelay $0x2  }
0x8c: {  	[tilespmem:s13], [sflag:$0x2] =	stream.indirect_vreg.gather [hbm4b:s1+s3], $0x80, v4, vm0, $0xb8;
	[tilespmem:$0x12400] =	vst v63  }
0x8d: {  	s5 =	simm.s32 $0xAA00  }
0x8e: {  	[tilespmem:s5], [sflag:$0x2] =	stream.indirect_vreg.gather [hbm4b:s1+s3], $0x80, v3, vm0, $0xb8;
	[tilespmem:$0x12400] =	vst v63  }
0x8f: {  	v3 =	vld [tilespmem:$0xB0];
	_ =	sdelay $0x4  }
0x90: {  	v13 =	vshll.u32 v3, $0x1  }
0x91: {  	v3 =	vand.u32 $0x7, v3;
	v4 =	vand.u32 $0xFFFFFFF0, v13  }
0x92: {  	v3 =	vor.u32 v3, v4  }
0x93: {  	v4 =	vperm.xlane v3, v0;
	_ =	sdelay $0x1  }
0x94: {  	v3 =	vperm.xlane v3, v2;
	v4 =	vadd.s32 v1, v4;
	_ =	sdelay $0x1  }
0x95: {  	v3 =	vadd.s32 v1, v3;
	_ =	sdelay $0x2  }
0x96: {  	[tilespmem:s15], [sflag:$0x2] =	stream.indirect_vreg.gather [hbm4b:s1+s3], $0x80, v4, vm0, $0xb8;
	[tilespmem:$0x12400] =	vst v63  }
0x97: {  	_ = 	snop  }
0x98: {  	[tilespmem:s16], [sflag:$0x2] =	stream.indirect_vreg.gather [hbm4b:s1+s3], $0x80, v3, vm0, $0xb8;
	[tilespmem:$0x12400] =	vst v63  }
0x99: {  	v3 =	vld [tilespmem:$0xC0];
	_ =	sdelay $0x4  }
0x9a: {  	v14 =	vshll.u32 v3, $0x1  }
0x9b: {  	v3 =	vand.u32 $0x7, v3;
	v4 =	vand.u32 $0xFFFFFFF0, v14  }
0x9c: {  	v3 =	vor.u32 v3, v4  }
0x9d: {  	v4 =	vperm.xlane v3, v0;
	_ =	sdelay $0x1  }
0x9e: {  	v3 =	vperm.xlane v3, v2;
	v4 =	vadd.s32 v1, v4;
	_ =	sdelay $0x1  }
0x9f: {  	v3 =	vadd.s32 v1, v3;
	_ =	sdelay $0x2  }
0xa0: {  	[tilespmem:s17], [sflag:$0x2] =	stream.indirect_vreg.gather [hbm4b:s1+s3], $0x80, v4, vm0, $0xb8;
	[tilespmem:$0x12400] =	vst v63  }
0xa1: {  	_ = 	snop  }
0xa2: {  	[tilespmem:s23], [sflag:$0x2] =	stream.indirect_vreg.gather [hbm4b:s1+s3], $0x80, v3, vm0, $0xb8;
	[tilespmem:$0x12400] =	vst v63  }
0xa3: {  	v3 =	vld [tilespmem:$0xD0];
	_ =	sdelay $0x4  }
0xa4: {  	v15 =	vshll.u32 v3, $0x1  }
0xa5: {  	v3 =	vand.u32 $0x7, v3;
	v4 =	vand.u32 $0xFFFFFFF0, v15  }
0xa6: {  	v3 =	vor.u32 v3, v4  }
0xa7: {  	v4 =	vperm.xlane v3, v0;
	_ =	sdelay $0x1  }
0xa8: {  	v3 =	vperm.xlane v3, v2;
	v4 =	vadd.s32 v1, v4;
	_ =	sdelay $0x1  }
0xa9: {  	v3 =	vadd.s32 v1, v3;
	_ =	sdelay $0x1  }
0xaa: {  	s18 =	simm.s32 $0xD200  }
0xab: {  	[tilespmem:s18], [sflag:$0x2] =	stream.indirect_vreg.gather [hbm4b:s1+s3], $0x80, v4, vm0, $0xb8;
	[tilespmem:$0x12400] =	vst v63  }
0xac: {  	s5 =	simm.s32 $0xDA00  }
0xad: {  	[tilespmem:s5], [sflag:$0x2] =	stream.indirect_vreg.gather [hbm4b:s1+s3], $0x80, v3, vm0, $0xb8;
	[tilespmem:$0x12400] =	vst v63  }
0xae: {  	v3 =	vld [tilespmem:$0xE0];
	_ =	sdelay $0x4  }
0xaf: {  	v16 =	vshll.u32 v3, $0x1  }
0xb0: {  	v3 =	vand.u32 $0x7, v3;
	v4 =	vand.u32 $0xFFFFFFF0, v16  }
0xb1: {  	v3 =	vor.u32 v3, v4  }
0xb2: {  	v4 =	vperm.xlane v3, v0;
	_ =	sdelay $0x1  }
0xb3: {  	v3 =	vperm.xlane v3, v2;
	v4 =	vadd.s32 v1, v4;
	_ =	sdelay $0x1  }
0xb4: {  	v3 =	vadd.s32 v1, v3;
	_ =	sdelay $0x1  }
0xb5: {  	s18 =	simm.s32 $0xE200  }
0xb6: {  	[tilespmem:s18], [sflag:$0x2] =	stream.indirect_vreg.gather [hbm4b:s1+s3], $0x80, v4, vm0, $0xb8;
	[tilespmem:$0x12400] =	vst v63  }
0xb7: {  	s5 =	simm.s32 $0xEA00  }
0xb8: {  	[tilespmem:s5], [sflag:$0x2] =	stream.indirect_vreg.gather [hbm4b:s1+s3], $0x80, v3, vm0, $0xb8;
	[tilespmem:$0x12400] =	vst v63  }
0xb9: {  	v3 =	vld [tilespmem:$0xF0];
	_ =	sdelay $0x4  }
0xba: {  	v17 =	vshll.u32 v3, $0x1  }
0xbb: {  	v3 =	vand.u32 $0x7, v3;
	v4 =	vand.u32 $0xFFFFFFF0, v17  }
0xbc: {  	v3 =	vor.u32 v3, v4  }
0xbd: {  	v4 =	vperm.xlane v3, v0;
	_ =	sdelay $0x1  }
0xbe: {  	v3 =	vperm.xlane v3, v2;
	v4 =	vadd.s32 v1, v4;
	_ =	sdelay $0x1  }
0xbf: {  	v3 =	vadd.s32 v1, v3;
	_ =	sdelay $0x1  }
0xc0: {  	s18 =	simm.s32 $0xF200  }
0xc1: {  	[tilespmem:s18], [sflag:$0x2] =	stream.indirect_vreg.gather [hbm4b:s1+s3], $0x80, v4, vm0, $0xb8;
	[tilespmem:$0x12400] =	vst v63  }
0xc2: {  	s0 =	simm.s32 $0x1;
	s5 =	simm.s32 $0xFA00  }
0xc3: {  	[tilespmem:s5], [sflag:$0x2] =	stream.indirect_vreg.gather [hbm4b:s1+s3], $0x80, v3, vm0, $0xb8;
	[tilespmem:$0x12400] =	vst v63  }
0xc4: {  	_ =	swait.ge [sflag:s0], $0x8000  }
0xc5: {  	[sflag:s0] =	ssyncset.done $0x0  }
0xc6: {  	s5 =	simm.s32 $0x200;
	s18 =	rddreg [dreg:$0x6];
	[sflag:s0] =	ssyncadd.s32 $0xFFFF8000  }
0xc7: {  	[hbm4b:s18+s3] =	stream.linear.scatter [tilespmem:s5], [sflag:$0x3], $0x8000, $0x38;
	[tilespmem:$0x12400] =	vst v63  }
0xc8: {  	_ =	swait.ge [sflag:s2], $0x8000  }
0xc9: {  	[sflag:s2] =	ssyncset.done $0x0  }
0xca: {  	[sflag:s2] =	ssyncadd.s32 $0xFFFF8000  }
0xcb: {  	v3 =	vld [tilespmem:$0x100];
	_ =	sdelay $0x4  }
0xcc: {  	v18 =	vshll.u32 v3, $0x1  }
0xcd: {  	v3 =	vand.u32 $0x7, v3;
	v4 =	vand.u32 $0xFFFFFFF0, v18  }
0xce: {  	v3 =	vor.u32 v3, v4  }
0xcf: {  	v4 =	vperm.xlane v3, v0;
	_ =	sdelay $0x1  }
0xd0: {  	v3 =	vperm.xlane v3, v2;
	v4 =	vadd.s32 v1, v4;
	_ =	sdelay $0x1  }
0xd1: {  	v3 =	vadd.s32 v1, v3;
	_ =	sdelay $0x2  }
0xd2: {  	[tilespmem:s5], [sflag:$0x1] =	stream.indirect_vreg.gather [hbm4b:s1+s3], $0x80, v4, vm0, $0xb8;
	[tilespmem:$0x12400] =	vst v63  }
0xd3: {  	_ = 	snop  }
0xd4: {  	[tilespmem:s19], [sflag:$0x1] =	stream.indirect_vreg.gather [hbm4b:s1+s3], $0x80, v3, vm0, $0xb8;
	[tilespmem:$0x12400] =	vst v63  }
0xd5: {  	v3 =	vld [tilespmem:$0x110];
	_ =	sdelay $0x4  }
0xd6: {  	v19 =	vshll.u32 v3, $0x1  }
0xd7: {  	v3 =	vand.u32 $0x7, v3;
	v4 =	vand.u32 $0xFFFFFFF0, v19  }
0xd8: {  	v3 =	vor.u32 v3, v4  }
0xd9: {  	v4 =	vperm.xlane v3, v0;
	_ =	sdelay $0x1  }
0xda: {  	v3 =	vperm.xlane v3, v2;
	v4 =	vadd.s32 v1, v4;
	_ =	sdelay $0x1  }
0xdb: {  	v3 =	vadd.s32 v1, v3;
	_ =	sdelay $0x2  }
0xdc: {  	[tilespmem:s20], [sflag:$0x1] =	stream.indirect_vreg.gather [hbm4b:s1+s3], $0x80, v4, vm0, $0xb8;
	[tilespmem:$0x12400] =	vst v63  }
0xdd: {  	_ = 	snop  }
0xde: {  	[tilespmem:s21], [sflag:$0x1] =	stream.indirect_vreg.gather [hbm4b:s1+s3], $0x80, v3, vm0, $0xb8;
	[tilespmem:$0x12400] =	vst v63  }
0xdf: {  	v3 =	vld [tilespmem:$0x120];
	_ =	sdelay $0x4  }
0xe0: {  	v20 =	vshll.u32 v3, $0x1  }
0xe1: {  	v3 =	vand.u32 $0x7, v3;
	v4 =	vand.u32 $0xFFFFFFF0, v20  }
0xe2: {  	v3 =	vor.u32 v3, v4  }
0xe3: {  	v4 =	vperm.xlane v3, v0;
	_ =	sdelay $0x1  }
0xe4: {  	v3 =	vperm.xlane v3, v2;
	v4 =	vadd.s32 v1, v4;
	_ =	sdelay $0x1  }
0xe5: {  	v3 =	vadd.s32 v1, v3;
	_ =	sdelay $0x2  }
0xe6: {  	[tilespmem:s22], [sflag:$0x1] =	stream.indirect_vreg.gather [hbm4b:s1+s3], $0x80, v4, vm0, $0xb8;
	[tilespmem:$0x12400] =	vst v63  }
0xe7: {  	_ = 	snop  }
0xe8: {  	[tilespmem:s24], [sflag:$0x1] =	stream.indirect_vreg.gather [hbm4b:s1+s3], $0x80, v3, vm0, $0xb8;
	[tilespmem:$0x12400] =	vst v63  }
0xe9: {  	v3 =	vld [tilespmem:$0x130];
	_ =	sdelay $0x4  }
0xea: {  	v21 =	vshll.u32 v3, $0x1  }
0xeb: {  	v3 =	vand.u32 $0x7, v3;
	v4 =	vand.u32 $0xFFFFFFF0, v21  }
0xec: {  	v3 =	vor.u32 v3, v4  }
0xed: {  	v4 =	vperm.xlane v3, v0;
	_ =	sdelay $0x1  }
0xee: {  	v3 =	vperm.xlane v3, v2;
	v4 =	vadd.s32 v1, v4;
	_ =	sdelay $0x1  }
0xef: {  	v3 =	vadd.s32 v1, v3;
	_ =	sdelay $0x2  }
0xf0: {  	[tilespmem:s25], [sflag:$0x1] =	stream.indirect_vreg.gather [hbm4b:s1+s3], $0x80, v4, vm0, $0xb8;
	[tilespmem:$0x12400] =	vst v63  }
0xf1: {  	_ = 	snop  }
0xf2: {  	[tilespmem:s26], [sflag:$0x1] =	stream.indirect_vreg.gather [hbm4b:s1+s3], $0x80, v3, vm0, $0xb8;
	[tilespmem:$0x12400] =	vst v63  }
0xf3: {  	v3 =	vld [tilespmem:$0x140];
	_ =	sdelay $0x4  }
0xf4: {  	v22 =	vshll.u32 v3, $0x1  }
0xf5: {  	v3 =	vand.u32 $0x7, v3;
	v4 =	vand.u32 $0xFFFFFFF0, v22  }
0xf6: {  	v3 =	vor.u32 v3, v4  }
0xf7: {  	v4 =	vperm.xlane v3, v0;
	_ =	sdelay $0x1  }
0xf8: {  	v3 =	vperm.xlane v3, v2;
	v4 =	vadd.s32 v1, v4;
	_ =	sdelay $0x1  }
0xf9: {  	v3 =	vadd.s32 v1, v3;
	_ =	sdelay $0x2  }
0xfa: {  	[tilespmem:s28], [sflag:$0x1] =	stream.indirect_vreg.gather [hbm4b:s1+s3], $0x80, v4, vm0, $0xb8;
	[tilespmem:$0x12400] =	vst v63  }
0xfb: {  	_ = 	snop  }
0xfc: {  	[tilespmem:s29], [sflag:$0x1] =	stream.indirect_vreg.gather [hbm4b:s1+s3], $0x80, v3, vm0, $0xb8;
	[tilespmem:$0x12400] =	vst v63  }
0xfd: {  	v3 =	vld [tilespmem:$0x150];
	_ =	sdelay $0x4  }
0xfe: {  	v23 =	vshll.u32 v3, $0x1  }
0xff: {  	v3 =	vand.u32 $0x7, v3;
	v4 =	vand.u32 $0xFFFFFFF0, v23  }
0x100: {  	v3 =	vor.u32 v3, v4  }
0x101: {  	v4 =	vperm.xlane v3, v0;
	_ =	sdelay $0x1  }
0x102: {  	v3 =	vperm.xlane v3, v2;
	v4 =	vadd.s32 v1, v4;
	_ =	sdelay $0x1  }
0x103: {  	v3 =	vadd.s32 v1, v3;
	_ =	sdelay $0x2  }
0x104: {  	[tilespmem:s30], [sflag:$0x1] =	stream.indirect_vreg.gather [hbm4b:s1+s3], $0x80, v4, vm0, $0xb8;
	[tilespmem:$0x12400] =	vst v63  }
0x105: {  	_ = 	snop  }
0x106: {  	[tilespmem:s31], [sflag:$0x1] =	stream.indirect_vreg.gather [hbm4b:s1+s3], $0x80, v3, vm0, $0xb8;
	[tilespmem:$0x12400] =	vst v63  }
0x107: {  	v3 =	vld [tilespmem:$0x160];
	_ =	sdelay $0x4  }
0x108: {  	v24 =	vshll.u32 v3, $0x1  }
0x109: {  	v3 =	vand.u32 $0x7, v3;
	v4 =	vand.u32 $0xFFFFFFF0, v24  }
0x10a: {  	v3 =	vor.u32 v3, v4  }
0x10b: {  	v4 =	vperm.xlane v3, v0;
	_ =	sdelay $0x1  }
0x10c: {  	v3 =	vperm.xlane v3, v2;
	v4 =	vadd.s32 v1, v4;
	_ =	sdelay $0x1  }
0x10d: {  	v3 =	vadd.s32 v1, v3;
	_ =	sdelay $0x2  }
0x10e: {  	[tilespmem:s10], [sflag:$0x1] =	stream.indirect_vreg.gather [hbm4b:s1+s3], $0x80, v4, vm0, $0xb8;
	[tilespmem:$0x12400] =	vst v63  }
0x10f: {  	_ = 	snop  }
0x110: {  	[tilespmem:s7], [sflag:$0x1] =	stream.indirect_vreg.gather [hbm4b:s1+s3], $0x80, v3, vm0, $0xb8;
	[tilespmem:$0x12400] =	vst v63  }
0x111: {  	v3 =	vld [tilespmem:$0x170];
	_ =	sdelay $0x4  }
0x112: {  	v25 =	vshll.u32 v3, $0x1  }
0x113: {  	v3 =	vand.u32 $0x7, v3;
	v4 =	vand.u32 $0xFFFFFFF0, v25  }
0x114: {  	v3 =	vor.u32 v3, v4  }
0x115: {  	v4 =	vperm.xlane v3, v0;
	_ =	sdelay $0x1  }
0x116: {  	v3 =	vperm.xlane v3, v2;
	v4 =	vadd.s32 v1, v4;
	_ =	sdelay $0x1  }
0x117: {  	v3 =	vadd.s32 v1, v3;
	_ =	sdelay $0x2  }
0x118: {  	[tilespmem:s8], [sflag:$0x1] =	stream.indirect_vreg.gather [hbm4b:s1+s3], $0x80, v4, vm0, $0xb8;
	[tilespmem:$0x12400] =	vst v63  }
0x119: {  	s7 =	simm.s32 $0x2  }
0x11a: {  	[tilespmem:s9], [sflag:$0x1] =	stream.indirect_vreg.gather [hbm4b:s1+s3], $0x80, v3, vm0, $0xb8;
	[tilespmem:$0x12400] =	vst v63  }
0x11b: {  	_ =	swait.ge [sflag:s7], $0x8000  }
0x11c: {  	[sflag:s7] =	ssyncset.done $0x0  }
0x11d: {  	s8 =	rddreg [dreg:$0x7];
	[sflag:s7] =	ssyncadd.s32 $0xFFFF8000  }
0x11e: {  	[hbm4b:s8+s3] =	stream.linear.scatter [tilespmem:s14], [sflag:$0x4], $0x8000, $0x38;
	[tilespmem:$0x12400] =	vst v63  }
0x11f: {  	s8 =	simm.s32 $0x4  }
0x120: {  	_ =	swait.ge [sflag:s8], $0x8000  }
0x121: {  	[sflag:s8] =	ssyncset.done $0x0  }
0x122: {  	[sflag:s8] =	ssyncadd.s32 $0xFFFF8000  }
0x123: {  	v3 =	vld [tilespmem:$0x180];
	_ =	sdelay $0x4  }
0x124: {  	v26 =	vshll.u32 v3, $0x1  }
0x125: {  	v3 =	vand.u32 $0x7, v3;
	v4 =	vand.u32 $0xFFFFFFF0, v26  }
0x126: {  	v3 =	vor.u32 v3, v4  }
0x127: {  	v4 =	vperm.xlane v3, v0;
	_ =	sdelay $0x1  }
0x128: {  	v3 =	vperm.xlane v3, v2;
	v4 =	vadd.s32 v1, v4;
	_ =	sdelay $0x1  }
0x129: {  	v3 =	vadd.s32 v1, v3;
	_ =	sdelay $0x2  }
0x12a: {  	[tilespmem:s14], [sflag:$0x2] =	stream.indirect_vreg.gather [hbm4b:s1+s3], $0x80, v4, vm0, $0xb8;
	[tilespmem:$0x12400] =	vst v63  }
0x12b: {  	s19 =	simm.s32 $0x8A00  }
0x12c: {  	[tilespmem:s19], [sflag:$0x2] =	stream.indirect_vreg.gather [hbm4b:s1+s3], $0x80, v3, vm0, $0xb8;
	[tilespmem:$0x12400] =	vst v63  }
0x12d: {  	v3 =	vld [tilespmem:$0x190];
	_ =	sdelay $0x4  }
0x12e: {  	v27 =	vshll.u32 v3, $0x1  }
0x12f: {  	v3 =	vand.u32 $0x7, v3;
	v4 =	vand.u32 $0xFFFFFFF0, v27  }
0x130: {  	v3 =	vor.u32 v3, v4  }
0x131: {  	v4 =	vperm.xlane v3, v0;
	_ =	sdelay $0x1  }
0x132: {  	v3 =	vperm.xlane v3, v2;
	v4 =	vadd.s32 v1, v4;
	_ =	sdelay $0x1  }
0x133: {  	v3 =	vadd.s32 v1, v3;
	_ =	sdelay $0x1  }
0x134: {  	s18 =	simm.s32 $0x9200  }
0x135: {  	[tilespmem:s18], [sflag:$0x2] =	stream.indirect_vreg.gather [hbm4b:s1+s3], $0x80, v4, vm0, $0xb8;
	[tilespmem:$0x12400] =	vst v63  }
0x136: {  	_ = 	snop  }
0x137: {  	[tilespmem:s12], [sflag:$0x2] =	stream.indirect_vreg.gather [hbm4b:s1+s3], $0x80, v3, vm0, $0xb8;
	[tilespmem:$0x12400] =	vst v63  }
0x138: {  	v3 =	vld [tilespmem:$0x1A0];
	_ =	sdelay $0x4  }
0x139: {  	v28 =	vshll.u32 v3, $0x1  }
0x13a: {  	v3 =	vand.u32 $0x7, v3;
	v4 =	vand.u32 $0xFFFFFFF0, v28  }
0x13b: {  	v3 =	vor.u32 v3, v4  }
0x13c: {  	v4 =	vperm.xlane v3, v0;
	_ =	sdelay $0x1  }
0x13d: {  	v3 =	vperm.xlane v3, v2;
	v4 =	vadd.s32 v1, v4;
	_ =	sdelay $0x1  }
0x13e: {  	v3 =	vadd.s32 v1, v3;
	_ =	sdelay $0x2  }
0x13f: {  	[tilespmem:s13], [sflag:$0x2] =	stream.indirect_vreg.gather [hbm4b:s1+s3], $0x80, v4, vm0, $0xb8;
	[tilespmem:$0x12400] =	vst v63  }
0x140: {  	s19 =	simm.s32 $0xAA00  }
0x141: {  	[tilespmem:s19], [sflag:$0x2] =	stream.indirect_vreg.gather [hbm4b:s1+s3], $0x80, v3, vm0, $0xb8;
	[tilespmem:$0x12400] =	vst v63  }
0x142: {  	v3 =	vld [tilespmem:$0x1B0];
	_ =	sdelay $0x4  }
0x143: {  	v29 =	vshll.u32 v3, $0x1  }
0x144: {  	v3 =	vand.u32 $0x7, v3;
	v4 =	vand.u32 $0xFFFFFFF0, v29  }
0x145: {  	v3 =	vor.u32 v3, v4  }
0x146: {  	v4 =	vperm.xlane v3, v0;
	_ =	sdelay $0x1  }
0x147: {  	v3 =	vperm.xlane v3, v2;
	v4 =	vadd.s32 v1, v4;
	_ =	sdelay $0x1  }
0x148: {  	v3 =	vadd.s32 v1, v3;
	_ =	sdelay $0x2  }
0x149: {  	[tilespmem:s15], [sflag:$0x2] =	stream.indirect_vreg.gather [hbm4b:s1+s3], $0x80, v4, vm0, $0xb8;
	[tilespmem:$0x12400] =	vst v63  }
0x14a: {  	_ = 	snop  }
0x14b: {  	[tilespmem:s16], [sflag:$0x2] =	stream.indirect_vreg.gather [hbm4b:s1+s3], $0x80, v3, vm0, $0xb8;
	[tilespmem:$0x12400] =	vst v63  }
0x14c: {  	v3 =	vld [tilespmem:$0x1C0];
	_ =	sdelay $0x4  }
0x14d: {  	v30 =	vshll.u32 v3, $0x1  }
0x14e: {  	v3 =	vand.u32 $0x7, v3;
	v4 =	vand.u32 $0xFFFFFFF0, v30  }
0x14f: {  	v3 =	vor.u32 v3, v4  }
0x150: {  	v4 =	vperm.xlane v3, v0;
	_ =	sdelay $0x1  }
0x151: {  	v3 =	vperm.xlane v3, v2;
	v4 =	vadd.s32 v1, v4;
	_ =	sdelay $0x1  }
0x152: {  	v3 =	vadd.s32 v1, v3;
	_ =	sdelay $0x2  }
0x153: {  	[tilespmem:s17], [sflag:$0x2] =	stream.indirect_vreg.gather [hbm4b:s1+s3], $0x80, v4, vm0, $0xb8;
	[tilespmem:$0x12400] =	vst v63  }
0x154: {  	_ = 	snop  }
0x155: {  	[tilespmem:s23], [sflag:$0x2] =	stream.indirect_vreg.gather [hbm4b:s1+s3], $0x80, v3, vm0, $0xb8;
	[tilespmem:$0x12400] =	vst v63  }
0x156: {  	v3 =	vld [tilespmem:$0x1D0];
	_ =	sdelay $0x4  }
0x157: {  	v31 =	vshll.u32 v3, $0x1  }
0x158: {  	v3 =	vand.u32 $0x7, v3;
	v4 =	vand.u32 $0xFFFFFFF0, v31  }
0x159: {  	v3 =	vor.u32 v3, v4  }
0x15a: {  	v4 =	vperm.xlane v3, v0;
	_ =	sdelay $0x1  }
0x15b: {  	v3 =	vperm.xlane v3, v2;
	v4 =	vadd.s32 v1, v4;
	_ =	sdelay $0x1  }
0x15c: {  	v3 =	vadd.s32 v1, v3;
	_ =	sdelay $0x1  }
0x15d: {  	s18 =	simm.s32 $0xD200  }
0x15e: {  	[tilespmem:s18], [sflag:$0x2] =	stream.indirect_vreg.gather [hbm4b:s1+s3], $0x80, v4, vm0, $0xb8;
	[tilespmem:$0x12400] =	vst v63  }
0x15f: {  	s19 =	simm.s32 $0xDA00  }
0x160: {  	[tilespmem:s19], [sflag:$0x2] =	stream.indirect_vreg.gather [hbm4b:s1+s3], $0x80, v3, vm0, $0xb8;
	[tilespmem:$0x12400] =	vst v63  }
0x161: {  	v3 =	vld [tilespmem:$0x1E0];
	_ =	sdelay $0x4  }
0x162: {  	v32 =	vshll.u32 v3, $0x1  }
0x163: {  	v3 =	vand.u32 $0x7, v3;
	v4 =	vand.u32 $0xFFFFFFF0, v32  }
0x164: {  	v3 =	vor.u32 v3, v4  }
0x165: {  	v4 =	vperm.xlane v3, v0;
	_ =	sdelay $0x1  }
0x166: {  	v3 =	vperm.xlane v3, v2;
	v4 =	vadd.s32 v1, v4;
	_ =	sdelay $0x1  }
0x167: {  	v3 =	vadd.s32 v1, v3;
	_ =	sdelay $0x1  }
0x168: {  	s18 =	simm.s32 $0xE200  }
0x169: {  	[tilespmem:s18], [sflag:$0x2] =	stream.indirect_vreg.gather [hbm4b:s1+s3], $0x80, v4, vm0, $0xb8;
	[tilespmem:$0x12400] =	vst v63  }
0x16a: {  	s19 =	simm.s32 $0xEA00  }
0x16b: {  	[tilespmem:s19], [sflag:$0x2] =	stream.indirect_vreg.gather [hbm4b:s1+s3], $0x80, v3, vm0, $0xb8;
	[tilespmem:$0x12400] =	vst v63  }
0x16c: {  	v3 =	vld [tilespmem:$0x1F0];
	_ =	sdelay $0x4  }
0x16d: {  	v33 =	vshll.u32 v3, $0x1  }
0x16e: {  	v3 =	vand.u32 $0x7, v3;
	v4 =	vand.u32 $0xFFFFFFF0, v33  }
0x16f: {  	v3 =	vor.u32 v3, v4  }
0x170: {  	v4 =	vperm.xlane v3, v0;
	_ =	sdelay $0x1  }
0x171: {  	v3 =	vperm.xlane v3, v2;
	v4 =	vadd.s32 v1, v4;
	_ =	sdelay $0x1  }
0x172: {  	v3 =	vadd.s32 v1, v3;
	_ =	sdelay $0x1  }
0x173: {  	s18 =	simm.s32 $0xF200  }
0x174: {  	[tilespmem:s18], [sflag:$0x2] =	stream.indirect_vreg.gather [hbm4b:s1+s3], $0x80, v4, vm0, $0xb8;
	[tilespmem:$0x12400] =	vst v63  }
0x175: {  	s19 =	simm.s32 $0xFA00  }
0x176: {  	[tilespmem:s19], [sflag:$0x2] =	stream.indirect_vreg.gather [hbm4b:s1+s3], $0x80, v3, vm0, $0xb8;
	[tilespmem:$0x12400] =	vst v63  }
0x177: {  	_ =	swait.ge [sflag:s0], $0x8000  }
0x178: {  	[sflag:s0] =	ssyncset.done $0x0  }
0x179: {  	s19 =	simm.s32 $0x200;
	s5 =	rddreg [dreg:$0x8];
	[sflag:s0] =	ssyncadd.s32 $0xFFFF8000  }
0x17a: {  	[hbm4b:s5+s3] =	stream.linear.scatter [tilespmem:s19], [sflag:$0x3], $0x8000, $0x38;
	[tilespmem:$0x12400] =	vst v63  }
0x17b: {  	_ =	swait.ge [sflag:s7], $0x8000  }
0x17c: {  	[sflag:s7] =	ssyncset.done $0x0  }
0x17d: {  	s0 =	rddreg [dreg:$0x9];
	[sflag:s7] =	ssyncadd.s32 $0xFFFF8000  }
0x17e: {  	[hbm4b:s0+s3] =	stream.linear.scatter [tilespmem:s14], [sflag:$0x4], $0x8000, $0x38;
	[tilespmem:$0x12400] =	vst v63  }
0x17f: {  	v3 =	vld [tilespmem:$0x0];
	_ =	sdelay $0x5  }
0x180: {  	v34 =	vld [tilespmem:$0x10];
	_ =	sdelay $0x1  }
0x181: {  	v3 =	vld.idx.msk [tilespmem:v3+s6+$0x0], $0xffff;
	_ =	sdelay $0x3  }
0x182: {  	v5 =	vld [tilespmem:$0x20]  }
0x183: {  	[tilespmem:$0x12200] =	vst v3  }
0x184: {  	v3 =	vld.idx.msk [tilespmem:v34+s6+$0x0], $0xffff;
	_ =	sdelay $0x3  }
0x185: {  	v35 =	vld [tilespmem:$0x30]  }
0x186: {  	[tilespmem:$0x12210] =	vst v3  }
0x187: {  	v3 =	vld.idx.msk [tilespmem:v5+s6+$0x0], $0xffff;
	_ =	sdelay $0x3  }
0x188: {  	v36 =	vld [tilespmem:$0x40]  }
0x189: {  	[tilespmem:$0x12220] =	vst v3  }
0x18a: {  	v3 =	vld.idx.msk [tilespmem:v35+s6+$0x0], $0xffff;
	_ =	sdelay $0x3  }
0x18b: {  	v37 =	vld [tilespmem:$0x50]  }
0x18c: {  	[tilespmem:$0x12230] =	vst v3  }
0x18d: {  	v3 =	vld.idx.msk [tilespmem:v36+s6+$0x0], $0xffff;
	_ =	sdelay $0x3  }
0x18e: {  	v38 =	vld [tilespmem:$0x60]  }
0x18f: {  	[tilespmem:$0x12240] =	vst v3  }
0x190: {  	v3 =	vld.idx.msk [tilespmem:v37+s6+$0x0], $0xffff;
	_ =	sdelay $0x3  }
0x191: {  	v39 =	vld [tilespmem:$0x70]  }
0x192: {  	[tilespmem:$0x12250] =	vst v3  }
0x193: {  	v3 =	vld.idx.msk [tilespmem:v38+s6+$0x0], $0xffff;
	_ =	sdelay $0x3  }
0x194: {  	v40 =	vld [tilespmem:$0x80]  }
0x195: {  	[tilespmem:$0x12260] =	vst v3  }
0x196: {  	v3 =	vld.idx.msk [tilespmem:v39+s6+$0x0], $0xffff;
	_ =	sdelay $0x3  }
0x197: {  	v41 =	vld [tilespmem:$0x90]  }
0x198: {  	[tilespmem:$0x12270] =	vst v3  }
0x199: {  	v3 =	vld.idx.msk [tilespmem:v40+s6+$0x0], $0xffff;
	_ =	sdelay $0x3  }
0x19a: {  	v42 =	vld [tilespmem:$0xA0]  }
0x19b: {  	[tilespmem:$0x12280] =	vst v3  }
0x19c: {  	v3 =	vld.idx.msk [tilespmem:v41+s6+$0x0], $0xffff;
	_ =	sdelay $0x3  }
0x19d: {  	v43 =	vld [tilespmem:$0xB0]  }
0x19e: {  	[tilespmem:$0x12290] =	vst v3  }
0x19f: {  	v3 =	vld.idx.msk [tilespmem:v42+s6+$0x0], $0xffff;
	_ =	sdelay $0x3  }
0x1a0: {  	v44 =	vld [tilespmem:$0xC0]  }
0x1a1: {  	[tilespmem:$0x122A0] =	vst v3  }
0x1a2: {  	v3 =	vld.idx.msk [tilespmem:v43+s6+$0x0], $0xffff;
	_ =	sdelay $0x3  }
0x1a3: {  	v45 =	vld [tilespmem:$0xD0]  }
0x1a4: {  	[tilespmem:$0x122B0] =	vst v3  }
0x1a5: {  	v3 =	vld.idx.msk [tilespmem:v44+s6+$0x0], $0xffff;
	_ =	sdelay $0x3  }
0x1a6: {  	v46 =	vld [tilespmem:$0xE0]  }
0x1a7: {  	[tilespmem:$0x122C0] =	vst v3  }
0x1a8: {  	v3 =	vld.idx.msk [tilespmem:v45+s6+$0x0], $0xffff;
	_ =	sdelay $0x3  }
0x1a9: {  	v47 =	vld [tilespmem:$0xF0]  }
0x1aa: {  	[tilespmem:$0x122D0] =	vst v3  }
0x1ab: {  	v3 =	vld.idx.msk [tilespmem:v46+s6+$0x0], $0xffff;
	_ =	sdelay $0x3  }
0x1ac: {  	v48 =	vld [tilespmem:$0x100]  }
0x1ad: {  	[tilespmem:$0x122E0] =	vst v3  }
0x1ae: {  	v3 =	vld.idx.msk [tilespmem:v47+s6+$0x0], $0xffff;
	_ =	sdelay $0x3  }
0x1af: {  	v49 =	vld [tilespmem:$0x110]  }
0x1b0: {  	[tilespmem:$0x122F0] =	vst v3  }
0x1b1: {  	v3 =	vld.idx.msk [tilespmem:v48+s6+$0x0], $0xffff;
	_ =	sdelay $0x3  }
0x1b2: {  	v50 =	vld [tilespmem:$0x120]  }
0x1b3: {  	[tilespmem:$0x12300] =	vst v3  }
0x1b4: {  	v3 =	vld.idx.msk [tilespmem:v49+s6+$0x0], $0xffff;
	_ =	sdelay $0x3  }
0x1b5: {  	v51 =	vld [tilespmem:$0x130]  }
0x1b6: {  	[tilespmem:$0x12310] =	vst v3  }
0x1b7: {  	v3 =	vld.idx.msk [tilespmem:v50+s6+$0x0], $0xffff;
	_ =	sdelay $0x3  }
0x1b8: {  	v52 =	vld [tilespmem:$0x140]  }
0x1b9: {  	[tilespmem:$0x12320] =	vst v3  }
0x1ba: {  	v3 =	vld.idx.msk [tilespmem:v51+s6+$0x0], $0xffff;
	_ =	sdelay $0x3  }
0x1bb: {  	v53 =	vld [tilespmem:$0x150]  }
0x1bc: {  	[tilespmem:$0x12330] =	vst v3  }
0x1bd: {  	v3 =	vld.idx.msk [tilespmem:v52+s6+$0x0], $0xffff;
	_ =	sdelay $0x3  }
0x1be: {  	v54 =	vld [tilespmem:$0x160]  }
0x1bf: {  	[tilespmem:$0x12340] =	vst v3  }
0x1c0: {  	v3 =	vld.idx.msk [tilespmem:v53+s6+$0x0], $0xffff;
	_ =	sdelay $0x3  }
0x1c1: {  	v55 =	vld [tilespmem:$0x170]  }
0x1c2: {  	[tilespmem:$0x12350] =	vst v3  }
0x1c3: {  	v3 =	vld.idx.msk [tilespmem:v54+s6+$0x0], $0xffff;
	_ =	sdelay $0x3  }
0x1c4: {  	v56 =	vld [tilespmem:$0x180]  }
0x1c5: {  	[tilespmem:$0x12360] =	vst v3  }
0x1c6: {  	v3 =	vld.idx.msk [tilespmem:v55+s6+$0x0], $0xffff;
	_ =	sdelay $0x3  }
0x1c7: {  	v57 =	vld [tilespmem:$0x190]  }
0x1c8: {  	[tilespmem:$0x12370] =	vst v3  }
0x1c9: {  	v3 =	vld.idx.msk [tilespmem:v56+s6+$0x0], $0xffff;
	_ =	sdelay $0x3  }
0x1ca: {  	v58 =	vld [tilespmem:$0x1A0]  }
0x1cb: {  	[tilespmem:$0x12380] =	vst v3  }
0x1cc: {  	v3 =	vld.idx.msk [tilespmem:v57+s6+$0x0], $0xffff;
	_ =	sdelay $0x3  }
0x1cd: {  	v59 =	vld [tilespmem:$0x1B0]  }
0x1ce: {  	[tilespmem:$0x12390] =	vst v3  }
0x1cf: {  	v3 =	vld.idx.msk [tilespmem:v58+s6+$0x0], $0xffff;
	_ =	sdelay $0x3  }
0x1d0: {  	v60 =	vld [tilespmem:$0x1C0]  }
0x1d1: {  	[tilespmem:$0x123A0] =	vst v3  }
0x1d2: {  	v3 =	vld.idx.msk [tilespmem:v59+s6+$0x0], $0xffff;
	_ =	sdelay $0x3  }
0x1d3: {  	v61 =	vld [tilespmem:$0x1D0]  }
0x1d4: {  	[tilespmem:$0x123B0] =	vst v3  }
0x1d5: {  	v3 =	vld.idx.msk [tilespmem:v60+s6+$0x0], $0xffff;
	_ =	sdelay $0x3  }
0x1d6: {  	v62 =	vld [tilespmem:$0x1E0]  }
0x1d7: {  	[tilespmem:$0x123C0] =	vst v3  }
0x1d8: {  	v3 =	vld.idx.msk [tilespmem:v61+s6+$0x0], $0xffff;
	_ =	sdelay $0x3  }
0x1d9: {  	v63 =	vld [tilespmem:$0x1F0]  }
0x1da: {  	[tilespmem:$0x123D0] =	vst v3  }
0x1db: {  	v3 =	vld.idx.msk [tilespmem:v62+s6+$0x0], $0xffff;
	_ =	sdelay $0x4  }
0x1dc: {  	[tilespmem:$0x123E0] =	vst v3  }
0x1dd: {  	v3 =	vld.idx.msk [tilespmem:v63+s6+$0x0], $0xffff;
	_ =	sdelay $0x3  }
0x1de: {  	s5 =	rddreg [dreg:$0xa]  }
0x1df: {  	s7 =	rddreg [dreg:$0xb];
	[tilespmem:$0x123F0] =	vst v3  }
0x1e0: {  	[hbm4b:s5+s3] =	stream.linear.scatter [tilespmem:s7], [sflag:$0x5], $0x200, $0x38;
	[tilespmem:$0x12400] =	vst v63  }
0x1e1: {  	_ =	swait.ge [sflag:s11], $0x200  }
0x1e2: {  	[sflag:s11] =	ssyncset.done $0x0  }
0x1e3: {  	[sflag:s11] =	ssyncadd.s32 $0xFFFFFE00  }
0x1e4: {  	p0 =	sne.s32 s4, $0x1;
	_ =	swait.ge [sflag:s2], $0x8000  }
.Ltmp0:
0x1e5: {  	[sflag:s2] =	ssyncset.done $0x0;
	(pc) =	sbr.rel @p0 .LBB2_1-.Ltmp0, $4  }
0x1e6: {  	[sflag:s2] =	ssyncadd.s32 $0xFFFF8000  }
0x1e7: {  	_ =	swait.ge [sflag:s8], $0x8000  }
0x1e8: {  	[sflag:s8] =	ssyncset.done $0x0  }
0x1e9: {  	s4 =	sadd.s32 $0xFFFFFFFF, s4;
	[sflag:s8] =	ssyncadd.s32 $0xFFFF8000  }
0x1ea: {  	_ =	sfence.sel $0x180000  }
0x1eb: {  	[bflag:$0x0] =	sbarrier.arrive $0xFFFF  }
0x1ec: {  	_ =	strace $0x90000047  }
0x1ed: {  	s0 =	stileid.u32;
	[bflag:$0x2] =	sbarrier.arrive $0xFFFF  }
0x1ee: {  	p0 =	sne.s32 s0, $0x0;
	s0 =	rddreg [dreg:$0x3]  }
0x1ef: {  	s0 =	sadd.s32 @!p0 $0x100000, s0  }
0x1f0: {  	[sflag:s0] =	ssyncadd.tile.s32 @!p0 $0x1;
	_ =	shalt  }
.Lfunc_end2:
_tile_overlayer_lowered:
.L_overlay_start_2:
0x1f1: {  	(tag) =	ssettag $0x2  }
0x1f2: {  	s0 =	rddreg [dreg:$0x0];
	s2 =	stileid.u32  }
0x1f3: {  	s1 =	rddreg [dreg:$0x1];
	p0 =	sne.s32 s2, $0x0  }
0x1f4: {  	s3 =	rddreg [dreg:$0x2];
	[bflag:$0x3] =	sbarrier.arrive $0xFFFF;
	s2 =	simm.s32 @!p0 $0x1C05  }
0x1f5: {  	[timem:s3], [sflag:s2] =	dma.local @!p0 [hbm:s0], s1  }
0x1f6: {  	s0 =	simm.s32 @!p0 $0x5  }
0x1f7: {  	_ =	swait.ge @!p0 [sflag:s0], s1  }
0x1f8: {  	s1 =	ssub.s32 @!p0 $0x0, s1;
	[sflag:s0] =	ssyncset.done @!p0 $0x0  }
0x1f9: {  	[sflag:s0] =	ssyncadd.s32 @!p0 s1  }
0x1fa: {  	[bflag:$0x3] =	sbarrier.arrive $0xFFFF  }
0x1fb: {  	_ =	shalt  }

</sc_bundles>
